<compile_context>
chip_gen: v7x
topology: tpu7x:2x2x1
jax: 0.10.2.dev20260603
libtpu: 0.0.44.dev20260713+nightly
codegen_flags: <defaults>
</compile_context>

<pallas_src>
import functools

import jax
import jax.numpy as jnp
from jax import lax
from jax.experimental import pallas as pl
from jax.experimental.pallas import tpu as pltpu
from jax.experimental.pallas import tpu_sc as plsc

N_S = 10000
N_T = 10000
E = 320000
PW = 160
IC = 25
C = 80
NW = 32
EPW = E // NW
NCHUNK = EPW // C
NZCHUNK = N_T // C
UC = 80
NUCHUNK = N_T // UC

f32 = jnp.float32


_DN0 = (((0,), (0,)), ((), ()))


def _prep_body(eat_ref, xs_ref, u_ref, w1aba_ref, b1aa_ref,
               w1abb_ref, b1ab_ref, w1atp_ref, onehot_ref,
               w1bp_ref, w2agg_ref, w2u_ref, b2a_ref,
               ewa_ref, ewb_ref, xw1p_ref, uw_ref, wc_ref):
    eat = eat_ref[...]
    ewa_ref[...] = (lax.dot_general(eat, w1aba_ref[...], _DN0,
                                    preferred_element_type=f32)
                    + b1aa_ref[...])
    ewb_ref[...] = (lax.dot_general(eat, w1abb_ref[...], _DN0,
                                    preferred_element_type=f32)
                    + b1ab_ref[...])

    @pl.when(pl.program_id(0) == 0)
    def _():
        xw1p_ref[...] = (jnp.dot(xs_ref[...], w1atp_ref[...],
                                 preferred_element_type=f32) + onehot_ref[...])
        uw_ref[...] = (jnp.dot(u_ref[...], w2u_ref[...],
                               preferred_element_type=f32) + b2a_ref[...])
        wc_ref[...] = jnp.dot(w1bp_ref[...], w2agg_ref[...],
                              preferred_element_type=f32)


def _tc_prep(eat, x_s, u, w1aba, b1aa, w1abb, b1ab_c, w1atp, onehot,
             w1bp, w2agg, w2u, b2a_r):
    BE = 3200
    grid = (E // BE,)
    full = lambda a: pl.BlockSpec(a.shape, lambda i: (0,) * a.ndim)
    return pl.pallas_call(
        _prep_body,
        grid=grid,
        in_specs=[
            pl.BlockSpec((16, BE), lambda i: (0, i)),
            full(x_s), full(u), full(w1aba), full(b1aa), full(w1abb),
            full(b1ab_c), full(w1atp), full(onehot),
            full(w1bp), full(w2agg), full(w2u), full(b2a_r),
        ],
        out_specs=[
            pl.BlockSpec((BE, 128), lambda i: (i, 0)),
            pl.BlockSpec((BE, 16), lambda i: (i, 0)),
            pl.BlockSpec((N_S, PW), lambda i: (0, 0)),
            pl.BlockSpec((1024, 128), lambda i: (0, 0)),
            pl.BlockSpec((160, 128), lambda i: (0, 0)),
        ],
        out_shape=[
            jax.ShapeDtypeStruct((E, 128), f32),
            jax.ShapeDtypeStruct((E, 16), f32),
            jax.ShapeDtypeStruct((N_S, PW), f32),
            jax.ShapeDtypeStruct((1024, 128), f32),
            jax.ShapeDtypeStruct((160, 128), f32),
        ],
    )(eat, x_s, u, w1aba, b1aa, w1abb, b1ab_c, w1atp, onehot,
      w1bp, w2agg, w2u, b2a_r)


def _sc_body(src_hbm, tgt_hbm, ewa_hbm, ewb_hbm, xw1p_hbm,
             aggh_hbm,
             srcv, tgtv, gbuf, ebufa, ebufb, acc, sem, sema, semb):
    cid = lax.axis_index("c")
    sid = lax.axis_index("s")
    wid = cid * 16 + sid

    def _zrow(r, _):
        for j in range(PW // 16):
            gbuf[r, pl.ds(j * 16, 16)] = jnp.zeros((16,), f32)
        return 0
    lax.fori_loop(0, C, _zrow, 0)
    for k in range(8):
        zc = sid + 16 * k

        @pl.when(zc < NZCHUNK)
        def _():
            pltpu.sync_copy(gbuf, acc.at[pl.ds(zc * C, C)])
    plsc.subcore_barrier()

    ebase = wid * EPW

    def _chunk(i, _):
        off = ebase + i * C
        j = i % IC

        @pl.when(j == 0)
        def _():
            pltpu.sync_copy(src_hbm.at[pl.ds(off, C * IC)], srcv)
            pltpu.sync_copy(tgt_hbm.at[pl.ds(off, C * IC)], tgtv)
        gcp = pltpu.async_copy(xw1p_hbm.at[srcv.at[pl.ds(j * C, C)]],
                               gbuf, sem)
        cpa = pltpu.async_copy(ewa_hbm.at[pl.ds(off, C)], ebufa, sema)
        cpb = pltpu.async_copy(ewb_hbm.at[pl.ds(off, C)], ebufb, semb)
        gcp.wait()
        cpa.wait()
        cpb.wait()

        @plsc.parallel_loop(0, C, 1, unroll=2)
        def _row(r):
            vs = [gbuf[r, pl.ds(j2 * 16, 16)] + ebufa[r, pl.ds(j2 * 16, 16)]
                  for j2 in range(8)]
            vb = gbuf[r, pl.ds(128, 16)] + ebufb[r, pl.ds(0, 16)]
            for j2 in range(8):
                gbuf[r, pl.ds(j2 * 16, 16)] = lax.max(vs[j2], 0.1 * vs[j2])
            gbuf[r, pl.ds(128, 16)] = lax.max(vb, 0.1 * vb)
        pltpu.sync_copy(gbuf, acc.at[tgtv.at[pl.ds(j * C, C)]], add=True)
        return 0
    lax.fori_loop(0, NCHUNK, _chunk, 0)

    plsc.subcore_barrier()

    for k in range(8):
        zc = sid + 16 * k

        @pl.when(zc < NZCHUNK)
        def _():
            row0 = zc * C
            pltpu.sync_copy(acc.at[pl.ds(row0, C)], gbuf)
            pltpu.sync_copy(gbuf, aggh_hbm.at[cid, pl.ds(row0, C)])


@functools.partial(
    pl.kernel,
    mesh=plsc.VectorSubcoreMesh(core_axis_name="c", subcore_axis_name="s"),
    compiler_params=pltpu.CompilerParams(use_tc_tiling_on_sc=False),
    out_type=jax.ShapeDtypeStruct((2, N_T, PW), f32),
    scratch_types=[
        pltpu.VMEM((C * IC,), jnp.int32),
        pltpu.VMEM((C * IC,), jnp.int32),
        pltpu.VMEM((C, PW), f32),
        pltpu.VMEM((C, 128), f32),
        pltpu.VMEM((C, 16), f32),
        pltpu.VMEM_SHARED((N_T, PW), f32),
        pltpu.SemaphoreType.DMA,
        pltpu.SemaphoreType.DMA,
        pltpu.SemaphoreType.DMA,
    ],
)
def _sc_edge(src, tgt, ewa, ewb, xw1p, aggh2,
             srcv, tgtv, gbuf, ebufa, ebufb, acc, sem, sema, semb):
    _sc_body(src, tgt, ewa, ewb, xw1p, aggh2,
             srcv, tgtv, gbuf, ebufa, ebufb, acc, sem, sema, semb)


def _sc_ug_body(uw_hbm, bt_hbm, ug_hbm, uidx, ubuf, sem):
    cid = lax.axis_index("c")
    sid = lax.axis_index("s")
    wid = cid * 16 + sid

    for k in range(4):
        cidx = wid + 32 * k

        @pl.when(cidx < NUCHUNK)
        def _():
            off = cidx * UC
            pltpu.sync_copy(bt_hbm.at[pl.ds(off, UC)], uidx)
            pltpu.async_copy(uw_hbm.at[uidx], ubuf, sem).wait()
            pltpu.sync_copy(ubuf, ug_hbm.at[pl.ds(off, UC)])


@functools.partial(
    pl.kernel,
    mesh=plsc.VectorSubcoreMesh(core_axis_name="c", subcore_axis_name="s"),
    compiler_params=pltpu.CompilerParams(use_tc_tiling_on_sc=False),
    out_type=jax.ShapeDtypeStruct((N_T, 128), f32),
    scratch_types=[
        pltpu.VMEM((UC,), jnp.int32),
        pltpu.VMEM((UC, 128), f32),
        pltpu.SemaphoreType.DMA,
    ],
)
def _sc_ugather(uw, batch_t, ug, uidx, ubuf, sem):
    _sc_ug_body(uw, batch_t, ug, uidx, ubuf, sem)


def _out_body(xt_ref, aggh_ref, ug_ref, wxt_ref, wc_ref, w2b_ref,
              b2b_ref, out_ref):
    a = aggh_ref[0] + aggh_ref[1]
    hp = (jnp.dot(xt_ref[...], wxt_ref[...], preferred_element_type=f32)
          + jnp.dot(a, wc_ref[...], preferred_element_type=f32)
          + ug_ref[...])
    h = lax.max(hp, 0.1 * hp)
    out_ref[...] = (jnp.dot(h, w2b_ref[...], preferred_element_type=f32)
                    + b2b_ref[...])


def _tc_out(x_t, aggh2, ug, wxt, wc, w2b, b2b_r):
    BT = 1000
    grid = (N_T // BT,)
    full = lambda a: pl.BlockSpec(a.shape, lambda i: (0,) * a.ndim)
    return pl.pallas_call(
        _out_body,
        grid=grid,
        in_specs=[
            pl.BlockSpec((BT, 128), lambda i: (i, 0)),
            pl.BlockSpec((2, BT, PW), lambda i: (0, i, 0)),
            pl.BlockSpec((BT, 128), lambda i: (i, 0)),
            full(wxt), full(wc), full(w2b), full(b2b_r),
        ],
        out_specs=pl.BlockSpec((BT, 128), lambda i: (i, 0)),
        out_shape=jax.ShapeDtypeStruct((N_T, 128), f32),
    )(x_t, aggh2, ug, wxt, wc, w2b, b2b_r)


def kernel(x_s, x_t, edge_index, edge_attr, u, batch_t,
           W1a, b1a, W1b, b1b, W2a, b2a, W2b, b2b):
    src = edge_index[0]
    tgt = edge_index[1]

    w1atp = jnp.concatenate([W1a[:128], jnp.zeros((128, 16), f32)],
                            axis=1)
    onehot = (jnp.arange(PW) == 144).astype(f32)[None, :]
    w1aba = W1a[128:, :128]
    b1aa = b1a[None, :128]
    w1abb = W1a[128:, 128:]
    b1ab_c = b1a[None, 128:]
    w1bp = jnp.concatenate([W1b, b1b[None, :], jnp.zeros((15, 144), f32)],
                           axis=0)
    w2agg = W2a[128:272]
    wxt = W2a[:128]
    w2u = W2a[272:]
    b2a_r = b2a[None, :]
    b2b_r = b2b[None, :]
    eat = edge_attr.T

    ewa, ewb, xw1p, uw, wc = _tc_prep(eat, x_s, u, w1aba, b1aa,
                                      w1abb, b1ab_c, w1atp, onehot,
                                      w1bp, w2agg, w2u, b2a_r)
    aggh2 = _sc_edge(src, tgt, ewa, ewb, xw1p)
    ug = _sc_ugather(uw, batch_t)
    return _tc_out(x_t, aggh2, ug, wxt, wc, W2b, b2b_r)

# --- scband reference (transcript-rebuilt; emitter-appended) ---
"""Pipeline reference for scband-tmodel-24756191494620 (READ-ONLY COPY).

The authoritative reference and input builder live on the scoring server;
editing this copy changes nothing except your own understanding.
"""

import jax, jax.numpy as jnp
import numpy as np

N_S = 10000
N_T = 10000
E = 320000
F_XS = 128
F_XT = 128
F_E = 16
F_U = 128
B = 1024
H1 = F_E + F_XS  # 144
H2 = F_XT + H1 + F_U  # 400


def leaky_relu(x):
    return jnp.where(x >= 0, x, 0.1 * x)


def _linear_init(key, fan_in, fan_out):
    bound = 1.0 / np.sqrt(fan_in)
    kw, kb = jax.random.split(key)
    W = jax.random.uniform(kw, (fan_in, fan_out), jnp.float32, -bound, bound)
    b = jax.random.uniform(kb, (fan_out,), jnp.float32, -bound, bound)
    return W, b


def setup_inputs(seed: int = 0):
    key = jax.random.key(seed)
    ks = jax.random.split(key, 10)
    x_s = jax.random.normal(ks[0], (N_S, F_XS), jnp.float32)
    x_t = jax.random.normal(ks[1], (N_T, F_XT), jnp.float32)
    edge_index = jax.random.randint(ks[2], (2, E), 0, N_S, jnp.int32)
    edge_attr = jax.random.normal(ks[3], (E, F_E), jnp.float32)
    u = jax.random.normal(ks[4], (B, F_U), jnp.float32)
    batch_t = jnp.sort(jax.random.randint(ks[5], (N_T,), 0, B, jnp.int32))
    W1a, b1a = _linear_init(ks[6], H1, H1)
    W1b, b1b = _linear_init(ks[7], H1, H1)
    W2a, b2a = _linear_init(ks[8], H2, F_XT)
    W2b, b2b = _linear_init(ks[9], F_XT, F_XT)
    return {"x_s": x_s, "x_t": x_t, "edge_index": edge_index, "edge_attr": edge_attr,
            "u": u, "batch_t": batch_t,
            "W1a": W1a, "b1a": b1a, "W1b": W1b, "b1b": b1b,
            "W2a": W2a, "b2a": b2a, "W2b": W2b, "b2b": b2b}


def reference(x_s, x_t, edge_index, edge_attr, u, batch_t,
              W1a, b1a, W1b, b1b, W2a, b2a, W2b, b2b):
    src = edge_index[0]
    tgt = edge_index[1]
    # message: gather source node feats, concat with edge feats, 2-layer MLP
    msg = jnp.concatenate([x_s[src], edge_attr], axis=1)
    msg = leaky_relu(msg @ W1a + b1a) @ W1b + b1b
    # scatter-sum aggregate over destination nodes
    agg = jax.ops.segment_sum(msg, tgt, num_segments=N_T)
    # node update: concat [x_t, agg, u[batch_t]] and apply 2-layer MLP
    h_cat = jnp.concatenate([x_t, agg, u[batch_t]], axis=1)
    out = leaky_relu(h_cat @ W2a + b2a) @ W2b + b2b
    return out

if __name__ == "__main__":
    import jax
    _d = setup_inputs()
    print(jax.jit(kernel)(*tuple(_d.values())))

</pallas_src>

<mosaic_0001>
#map = affine_map<(d0, d1) -> (0)>
#map1 = affine_map<(d0, d1) -> (0, 0)>
#map2 = affine_map<(d0, d1) -> (0, 0, 0)>
module attributes {stable_mosaic.version = 14 : i64} {
  func.func @_sc_edge(%arg0: i32, %arg1: i32, %arg2: memref<320000xi32, #tpu.memory_space<hbm>>, %arg3: memref<320000xi32, #tpu.memory_space<hbm>>, %arg4: memref<320000x128xf32, #tpu.memory_space<hbm>>, %arg5: memref<320000x16xf32, #tpu.memory_space<hbm>>, %arg6: memref<10000x160xf32, #tpu.memory_space<hbm>>, %arg7: memref<2x10000x160xf32, #tpu.memory_space<hbm>>, %arg8: memref<2000xi32, #tpu.memory_space<vmem>>, %arg9: memref<2000xi32, #tpu.memory_space<vmem>>, %arg10: memref<80x160xf32, #tpu.memory_space<vmem>>, %arg11: memref<80x128xf32, #tpu.memory_space<vmem>>, %arg12: memref<80x16xf32, #tpu.memory_space<vmem>>, %arg13: memref<10000x160xf32, #tpu.memory_space<vmem_shared>>, %arg14: memref<!tpu.dma_semaphore, #tpu.memory_space<semaphore_mem>>, %arg15: memref<!tpu.dma_semaphore, #tpu.memory_space<semaphore_mem>>, %arg16: memref<!tpu.dma_semaphore, #tpu.memory_space<semaphore_mem>>) attributes {dimension_semantics = [#tpu.dimension_semantics<core_parallel>, #tpu.dimension_semantics<subcore_parallel>], iteration_bounds = array<i64: 2, 16>, scalar_prefetch = 0 : i64, scratch_operands = 9 : i64, tpu.core_type = #tpu.core_type<sc_vector_subcore>, window_params = [{transform_indices = #map}, {transform_indices = #map}, {transform_indices = #map1}, {transform_indices = #map1}, {transform_indices = #map1}, {transform_indices = #map2}]} {
    %mul3A = arith.constant 16 : i32
    %mul3A_0 = arith.muli %arg0, %mul3A : i32
    %add3A = arith.addi %mul3A_0, %arg1 : i32
    %scan3A = arith.constant 0 : i32
    %scan3A_1 = arith.constant 0 : i32
    %scan3A_2 = arith.constant 80 : i32
    %scan3A_3 = arith.addi %scan3A_1, %scan3A_2 : i32
    %scan3A_4 = arith.constant 1 : i32
    %scan3A_5 = scf.for %scan3A_126 = %scan3A_1 to %scan3A_3 step %scan3A_4 iter_args(%scan3A_127 = %scan3A) -> (i32)  : i32 {
      %broadcast_in_dim3A = arith.constant 0.000000e+00 : f32
      %broadcast_in_dim3A_128 = vector.broadcast %broadcast_in_dim3A : f32 to vector<16xf32>
      %swap3A = arith.index_cast %scan3A_126 : i32 to index
      %swap3A_129 = arith.constant 0 : index
      %swap3A_130 = tpu.vector_load %arg10[%swap3A, %swap3A_129] {strides = array<i32>} : memref<80x160xf32, #tpu.memory_space<vmem>>, vector<1x16xf32>,
      %swap3A_131 = vector.shape_cast %swap3A_130 : vector<1x16xf32> to vector<16xf32>
      %swap3A_132 = vector.shape_cast %broadcast_in_dim3A_128 : vector<16xf32> to vector<1x16xf32>
      tpu.vector_store %arg10[%swap3A, %swap3A_129], %swap3A_132 {strides = array<i32>} : memref<80x160xf32, #tpu.memory_space<vmem>>, vector<1x16xf32>,
      %broadcast_in_dim3A_133 = arith.constant 0.000000e+00 : f32
      %broadcast_in_dim3A_134 = vector.broadcast %broadcast_in_dim3A_133 : f32 to vector<16xf32>
      %swap3A_135 = arith.index_cast %scan3A_126 : i32 to index
      %swap3A_136 = arith.constant 16 : index
      %swap3A_137 = tpu.vector_load %arg10[%swap3A_135, %swap3A_136] {strides = array<i32>} : memref<80x160xf32, #tpu.memory_space<vmem>>, vector<1x16xf32>,
      %swap3A_138 = vector.shape_cast %swap3A_137 : vector<1x16xf32> to vector<16xf32>
      %swap3A_139 = vector.shape_cast %broadcast_in_dim3A_134 : vector<16xf32> to vector<1x16xf32>
      tpu.vector_store %arg10[%swap3A_135, %swap3A_136], %swap3A_139 {strides = array<i32>} : memref<80x160xf32, #tpu.memory_space<vmem>>, vector<1x16xf32>,
      %broadcast_in_dim3A_140 = arith.constant 0.000000e+00 : f32
      %broadcast_in_dim3A_141 = vector.broadcast %broadcast_in_dim3A_140 : f32 to vector<16xf32>
      %swap3A_142 = arith.index_cast %scan3A_126 : i32 to index
      %swap3A_143 = arith.constant 32 : index
      %swap3A_144 = tpu.vector_load %arg10[%swap3A_142, %swap3A_143] {strides = array<i32>} : memref<80x160xf32, #tpu.memory_space<vmem>>, vector<1x16xf32>,
      %swap3A_145 = vector.shape_cast %swap3A_144 : vector<1x16xf32> to vector<16xf32>
      %swap3A_146 = vector.shape_cast %broadcast_in_dim3A_141 : vector<16xf32> to vector<1x16xf32>
      tpu.vector_store %arg10[%swap3A_142, %swap3A_143], %swap3A_146 {strides = array<i32>} : memref<80x160xf32, #tpu.memory_space<vmem>>, vector<1x16xf32>,
      %broadcast_in_dim3A_147 = arith.constant 0.000000e+00 : f32
      %broadcast_in_dim3A_148 = vector.broadcast %broadcast_in_dim3A_147 : f32 to vector<16xf32>
      %swap3A_149 = arith.index_cast %scan3A_126 : i32 to index
      %swap3A_150 = arith.constant 48 : index
      %swap3A_151 = tpu.vector_load %arg10[%swap3A_149, %swap3A_150] {strides = array<i32>} : memref<80x160xf32, #tpu.memory_space<vmem>>, vector<1x16xf32>,
      %swap3A_152 = vector.shape_cast %swap3A_151 : vector<1x16xf32> to vector<16xf32>
      %swap3A_153 = vector.shape_cast %broadcast_in_dim3A_148 : vector<16xf32> to vector<1x16xf32>
      tpu.vector_store %arg10[%swap3A_149, %swap3A_150], %swap3A_153 {strides = array<i32>} : memref<80x160xf32, #tpu.memory_space<vmem>>, vector<1x16xf32>,
      %broadcast_in_dim3A_154 = arith.constant 0.000000e+00 : f32
      %broadcast_in_dim3A_155 = vector.broadcast %broadcast_in_dim3A_154 : f32 to vector<16xf32>
      %swap3A_156 = arith.index_cast %scan3A_126 : i32 to index
      %swap3A_157 = arith.constant 64 : index
      %swap3A_158 = tpu.vector_load %arg10[%swap3A_156, %swap3A_157] {strides = array<i32>} : memref<80x160xf32, #tpu.memory_space<vmem>>, vector<1x16xf32>,
      %swap3A_159 = vector.shape_cast %swap3A_158 : vector<1x16xf32> to vector<16xf32>
      %swap3A_160 = vector.shape_cast %broadcast_in_dim3A_155 : vector<16xf32> to vector<1x16xf32>
      tpu.vector_store %arg10[%swap3A_156, %swap3A_157], %swap3A_160 {strides = array<i32>} : memref<80x160xf32, #tpu.memory_space<vmem>>, vector<1x16xf32>,
      %broadcast_in_dim3A_161 = arith.constant 0.000000e+00 : f32
      %broadcast_in_dim3A_162 = vector.broadcast %broadcast_in_dim3A_161 : f32 to vector<16xf32>
      %swap3A_163 = arith.index_cast %scan3A_126 : i32 to index
      %swap3A_164 = arith.constant 80 : index
      %swap3A_165 = tpu.vector_load %arg10[%swap3A_163, %swap3A_164] {strides = array<i32>} : memref<80x160xf32, #tpu.memory_space<vmem>>, vector<1x16xf32>,
      %swap3A_166 = vector.shape_cast %swap3A_165 : vector<1x16xf32> to vector<16xf32>
      %swap3A_167 = vector.shape_cast %broadcast_in_dim3A_162 : vector<16xf32> to vector<1x16xf32>
      tpu.vector_store %arg10[%swap3A_163, %swap3A_164], %swap3A_167 {strides = array<i32>} : memref<80x160xf32, #tpu.memory_space<vmem>>, vector<1x16xf32>,
      %broadcast_in_dim3A_168 = arith.constant 0.000000e+00 : f32
      %broadcast_in_dim3A_169 = vector.broadcast %broadcast_in_dim3A_168 : f32 to vector<16xf32>
      %swap3A_170 = arith.index_cast %scan3A_126 : i32 to index
      %swap3A_171 = arith.constant 96 : index
      %swap3A_172 = tpu.vector_load %arg10[%swap3A_170, %swap3A_171] {strides = array<i32>} : memref<80x160xf32, #tpu.memory_space<vmem>>, vector<1x16xf32>,
      %swap3A_173 = vector.shape_cast %swap3A_172 : vector<1x16xf32> to vector<16xf32>
      %swap3A_174 = vector.shape_cast %broadcast_in_dim3A_169 : vector<16xf32> to vector<1x16xf32>
      tpu.vector_store %arg10[%swap3A_170, %swap3A_171], %swap3A_174 {strides = array<i32>} : memref<80x160xf32, #tpu.memory_space<vmem>>, vector<1x16xf32>,
      %broadcast_in_dim3A_175 = arith.constant 0.000000e+00 : f32
      %broadcast_in_dim3A_176 = vector.broadcast %broadcast_in_dim3A_175 : f32 to vector<16xf32>
      %swap3A_177 = arith.index_cast %scan3A_126 : i32 to index
      %swap3A_178 = arith.constant 112 : index
      %swap3A_179 = tpu.vector_load %arg10[%swap3A_177, %swap3A_178] {strides = array<i32>} : memref<80x160xf32, #tpu.memory_space<vmem>>, vector<1x16xf32>,
      %swap3A_180 = vector.shape_cast %swap3A_179 : vector<1x16xf32> to vector<16xf32>
      %swap3A_181 = vector.shape_cast %broadcast_in_dim3A_176 : vector<16xf32> to vector<1x16xf32>
      tpu.vector_store %arg10[%swap3A_177, %swap3A_178], %swap3A_181 {strides = array<i32>} : memref<80x160xf32, #tpu.memory_space<vmem>>, vector<1x16xf32>,
      %broadcast_in_dim3A_182 = arith.constant 0.000000e+00 : f32
      %broadcast_in_dim3A_183 = vector.broadcast %broadcast_in_dim3A_182 : f32 to vector<16xf32>
      %swap3A_184 = arith.index_cast %scan3A_126 : i32 to index
      %swap3A_185 = arith.constant 128 : index
      %swap3A_186 = tpu.vector_load %arg10[%swap3A_184, %swap3A_185] {strides = array<i32>} : memref<80x160xf32, #tpu.memory_space<vmem>>, vector<1x16xf32>,
      %swap3A_187 = vector.shape_cast %swap3A_186 : vector<1x16xf32> to vector<16xf32>
      %swap3A_188 = vector.shape_cast %broadcast_in_dim3A_183 : vector<16xf32> to vector<1x16xf32>
      tpu.vector_store %arg10[%swap3A_184, %swap3A_185], %swap3A_188 {strides = array<i32>} : memref<80x160xf32, #tpu.memory_space<vmem>>, vector<1x16xf32>,
      %broadcast_in_dim3A_189 = arith.constant 0.000000e+00 : f32
      %broadcast_in_dim3A_190 = vector.broadcast %broadcast_in_dim3A_189 : f32 to vector<16xf32>
      %swap3A_191 = arith.index_cast %scan3A_126 : i32 to index
      %swap3A_192 = arith.constant 144 : index
      %swap3A_193 = tpu.vector_load %arg10[%swap3A_191, %swap3A_192] {strides = array<i32>} : memref<80x160xf32, #tpu.memory_space<vmem>>, vector<1x16xf32>,
      %swap3A_194 = vector.shape_cast %swap3A_193 : vector<1x16xf32> to vector<16xf32>
      %swap3A_195 = vector.shape_cast %broadcast_in_dim3A_190 : vector<16xf32> to vector<1x16xf32>
      tpu.vector_store %arg10[%swap3A_191, %swap3A_192], %swap3A_195 {strides = array<i32>} : memref<80x160xf32, #tpu.memory_space<vmem>>, vector<1x16xf32>,
      %scan3A_196 = arith.constant 0 : i32
      scf.yield %scan3A_196 : i32
    }
    %scan3A_6 = arith.constant 80 : i32
    %add3A_7 = arith.constant 0 : i32
    %add3A_8 = arith.addi %arg1, %add3A_7 : i32
    %lt3A = arith.constant 125 : i32
    %lt3A_9 = arith.cmpi slt, %add3A_8, %lt3A : i32
    %convert_element_type3A = arith.extui %lt3A_9 : i1 to i32
    %cond3A = arith.constant 0 : i32
    %cond3A_10 = arith.cmpi ne, %convert_element_type3A, %cond3A : i32
    scf.if %cond3A_10 {
      %mul3A_126 = arith.constant 80 : i32
      %mul3A_127 = arith.muli %add3A_8, %mul3A_126 : i32
      "tpu.region"() ({
        %run_scoped3A = tpu.sem_alloc : memref<!tpu.dma_semaphore, #tpu.memory_space<semaphore_mem>>
        %dma_start3A = arith.constant 0 : i32
        %dma_start3A_128 = tpu.memref_slice %arg13[%mul3A_127, %dma_start3A] : memref<10000x160xf32, #tpu.memory_space<vmem_shared>> -> memref<80x160xf32, #tpu.memory_space<vmem_shared>>
        %dma_start3A_129 = arith.constant 0 : i32
        %dma_start3A_130 = tpu.memref_slice %arg13[%mul3A_127, %dma_start3A_129] : memref<10000x160xf32, #tpu.memory_space<vmem_shared>> -> memref<80x160xf32, #tpu.memory_space<vmem_shared>>
        tpu.enqueue_dma source(%arg10 : memref<80x160xf32, #tpu.memory_space<vmem>>) target(%dma_start3A_130 : memref<80x160xf32, #tpu.memory_space<vmem_shared>>) target_semaphore(%run_scoped3A : memref<!tpu.dma_semaphore, #tpu.memory_space<semaphore_mem>>)
        %dma_wait3A = arith.constant 0 : i32
        %dma_wait3A_131 = tpu.memref_slice %arg13[%mul3A_127, %dma_wait3A] : memref<10000x160xf32, #tpu.memory_space<vmem_shared>> -> memref<80x160xf32, #tpu.memory_space<vmem_shared>>
        %dma_wait3A_132 = arith.constant 0 : i32
        %dma_wait3A_133 = tpu.memref_slice %arg13[%mul3A_127, %dma_wait3A_132] : memref<10000x160xf32, #tpu.memory_space<vmem_shared>> -> memref<80x160xf32, #tpu.memory_space<vmem_shared>>
        tpu.wait_dma2 semaphore(%run_scoped3A : memref<!tpu.dma_semaphore, #tpu.memory_space<semaphore_mem>>) src(%arg10 : memref<80x160xf32, #tpu.memory_space<vmem>>) dst(%dma_wait3A_133 : memref<80x160xf32, #tpu.memory_space<vmem_shared>>)
        tpu.yield
      }) : () -> ()
    } else {
    }
    %add3A_11 = arith.constant 16 : i32
    %add3A_12 = arith.addi %arg1, %add3A_11 : i32
    %lt3A_13 = arith.constant 125 : i32
    %lt3A_14 = arith.cmpi slt, %add3A_12, %lt3A_13 : i32
    %convert_element_type3A_15 = arith.extui %lt3A_14 : i1 to i32
    %cond3A_16 = arith.constant 0 : i32
    %cond3A_17 = arith.cmpi ne, %convert_element_type3A_15, %cond3A_16 : i32
    scf.if %cond3A_17 {
      %mul3A_126 = arith.constant 80 : i32
      %mul3A_127 = arith.muli %add3A_12, %mul3A_126 : i32
      "tpu.region"() ({
        %run_scoped3A = tpu.sem_alloc : memref<!tpu.dma_semaphore, #tpu.memory_space<semaphore_mem>>
        %dma_start3A = arith.constant 0 : i32
        %dma_start3A_128 = tpu.memref_slice %arg13[%mul3A_127, %dma_start3A] : memref<10000x160xf32, #tpu.memory_space<vmem_shared>> -> memref<80x160xf32, #tpu.memory_space<vmem_shared>>
        %dma_start3A_129 = arith.constant 0 : i32
        %dma_start3A_130 = tpu.memref_slice %arg13[%mul3A_127, %dma_start3A_129] : memref<10000x160xf32, #tpu.memory_space<vmem_shared>> -> memref<80x160xf32, #tpu.memory_space<vmem_shared>>
        tpu.enqueue_dma source(%arg10 : memref<80x160xf32, #tpu.memory_space<vmem>>) target(%dma_start3A_130 : memref<80x160xf32, #tpu.memory_space<vmem_shared>>) target_semaphore(%run_scoped3A : memref<!tpu.dma_semaphore, #tpu.memory_space<semaphore_mem>>)
        %dma_wait3A = arith.constant 0 : i32
        %dma_wait3A_131 = tpu.memref_slice %arg13[%mul3A_127, %dma_wait3A] : memref<10000x160xf32, #tpu.memory_space<vmem_shared>> -> memref<80x160xf32, #tpu.memory_space<vmem_shared>>
        %dma_wait3A_132 = arith.constant 0 : i32
        %dma_wait3A_133 = tpu.memref_slice %arg13[%mul3A_127, %dma_wait3A_132] : memref<10000x160xf32, #tpu.memory_space<vmem_shared>> -> memref<80x160xf32, #tpu.memory_space<vmem_shared>>
        tpu.wait_dma2 semaphore(%run_scoped3A : memref<!tpu.dma_semaphore, #tpu.memory_space<semaphore_mem>>) src(%arg10 : memref<80x160xf32, #tpu.memory_space<vmem>>) dst(%dma_wait3A_133 : memref<80x160xf32, #tpu.memory_space<vmem_shared>>)
        tpu.yield
      }) : () -> ()
    } else {
    }
    %add3A_18 = arith.constant 32 : i32
    %add3A_19 = arith.addi %arg1, %add3A_18 : i32
    %lt3A_20 = arith.constant 125 : i32
    %lt3A_21 = arith.cmpi slt, %add3A_19, %lt3A_20 : i32
    %convert_element_type3A_22 = arith.extui %lt3A_21 : i1 to i32
    %cond3A_23 = arith.constant 0 : i32
    %cond3A_24 = arith.cmpi ne, %convert_element_type3A_22, %cond3A_23 : i32
    scf.if %cond3A_24 {
      %mul3A_126 = arith.constant 80 : i32
      %mul3A_127 = arith.muli %add3A_19, %mul3A_126 : i32
      "tpu.region"() ({
        %run_scoped3A = tpu.sem_alloc : memref<!tpu.dma_semaphore, #tpu.memory_space<semaphore_mem>>
        %dma_start3A = arith.constant 0 : i32
        %dma_start3A_128 = tpu.memref_slice %arg13[%mul3A_127, %dma_start3A] : memref<10000x160xf32, #tpu.memory_space<vmem_shared>> -> memref<80x160xf32, #tpu.memory_space<vmem_shared>>
        %dma_start3A_129 = arith.constant 0 : i32
        %dma_start3A_130 = tpu.memref_slice %arg13[%mul3A_127, %dma_start3A_129] : memref<10000x160xf32, #tpu.memory_space<vmem_shared>> -> memref<80x160xf32, #tpu.memory_space<vmem_shared>>
        tpu.enqueue_dma source(%arg10 : memref<80x160xf32, #tpu.memory_space<vmem>>) target(%dma_start3A_130 : memref<80x160xf32, #tpu.memory_space<vmem_shared>>) target_semaphore(%run_scoped3A : memref<!tpu.dma_semaphore, #tpu.memory_space<semaphore_mem>>)
        %dma_wait3A = arith.constant 0 : i32
        %dma_wait3A_131 = tpu.memref_slice %arg13[%mul3A_127, %dma_wait3A] : memref<10000x160xf32, #tpu.memory_space<vmem_shared>> -> memref<80x160xf32, #tpu.memory_space<vmem_shared>>
        %dma_wait3A_132 = arith.constant 0 : i32
        %dma_wait3A_133 = tpu.memref_slice %arg13[%mul3A_127, %dma_wait3A_132] : memref<10000x160xf32, #tpu.memory_space<vmem_shared>> -> memref<80x160xf32, #tpu.memory_space<vmem_shared>>
        tpu.wait_dma2 semaphore(%run_scoped3A : memref<!tpu.dma_semaphore, #tpu.memory_space<semaphore_mem>>) src(%arg10 : memref<80x160xf32, #tpu.memory_space<vmem>>) dst(%dma_wait3A_133 : memref<80x160xf32, #tpu.memory_space<vmem_shared>>)
        tpu.yield
      }) : () -> ()
    } else {
    }
    %add3A_25 = arith.constant 48 : i32
    %add3A_26 = arith.addi %arg1, %add3A_25 : i32
    %lt3A_27 = arith.constant 125 : i32
    %lt3A_28 = arith.cmpi slt, %add3A_26, %lt3A_27 : i32
    %convert_element_type3A_29 = arith.extui %lt3A_28 : i1 to i32
    %cond3A_30 = arith.constant 0 : i32
    %cond3A_31 = arith.cmpi ne, %convert_element_type3A_29, %cond3A_30 : i32
    scf.if %cond3A_31 {
      %mul3A_126 = arith.constant 80 : i32
      %mul3A_127 = arith.muli %add3A_26, %mul3A_126 : i32
      "tpu.region"() ({
        %run_scoped3A = tpu.sem_alloc : memref<!tpu.dma_semaphore, #tpu.memory_space<semaphore_mem>>
        %dma_start3A = arith.constant 0 : i32
        %dma_start3A_128 = tpu.memref_slice %arg13[%mul3A_127, %dma_start3A] : memref<10000x160xf32, #tpu.memory_space<vmem_shared>> -> memref<80x160xf32, #tpu.memory_space<vmem_shared>>
        %dma_start3A_129 = arith.constant 0 : i32
        %dma_start3A_130 = tpu.memref_slice %arg13[%mul3A_127, %dma_start3A_129] : memref<10000x160xf32, #tpu.memory_space<vmem_shared>> -> memref<80x160xf32, #tpu.memory_space<vmem_shared>>
        tpu.enqueue_dma source(%arg10 : memref<80x160xf32, #tpu.memory_space<vmem>>) target(%dma_start3A_130 : memref<80x160xf32, #tpu.memory_space<vmem_shared>>) target_semaphore(%run_scoped3A : memref<!tpu.dma_semaphore, #tpu.memory_space<semaphore_mem>>)
        %dma_wait3A = arith.constant 0 : i32
        %dma_wait3A_131 = tpu.memref_slice %arg13[%mul3A_127, %dma_wait3A] : memref<10000x160xf32, #tpu.memory_space<vmem_shared>> -> memref<80x160xf32, #tpu.memory_space<vmem_shared>>
        %dma_wait3A_132 = arith.constant 0 : i32
        %dma_wait3A_133 = tpu.memref_slice %arg13[%mul3A_127, %dma_wait3A_132] : memref<10000x160xf32, #tpu.memory_space<vmem_shared>> -> memref<80x160xf32, #tpu.memory_space<vmem_shared>>
        tpu.wait_dma2 semaphore(%run_scoped3A : memref<!tpu.dma_semaphore, #tpu.memory_space<semaphore_mem>>) src(%arg10 : memref<80x160xf32, #tpu.memory_space<vmem>>) dst(%dma_wait3A_133 : memref<80x160xf32, #tpu.memory_space<vmem_shared>>)
        tpu.yield
      }) : () -> ()
    } else {
    }
    %add3A_32 = arith.constant 64 : i32
    %add3A_33 = arith.addi %arg1, %add3A_32 : i32
    %lt3A_34 = arith.constant 125 : i32
    %lt3A_35 = arith.cmpi slt, %add3A_33, %lt3A_34 : i32
    %convert_element_type3A_36 = arith.extui %lt3A_35 : i1 to i32
    %cond3A_37 = arith.constant 0 : i32
    %cond3A_38 = arith.cmpi ne, %convert_element_type3A_36, %cond3A_37 : i32
    scf.if %cond3A_38 {
      %mul3A_126 = arith.constant 80 : i32
      %mul3A_127 = arith.muli %add3A_33, %mul3A_126 : i32
      "tpu.region"() ({
        %run_scoped3A = tpu.sem_alloc : memref<!tpu.dma_semaphore, #tpu.memory_space<semaphore_mem>>
        %dma_start3A = arith.constant 0 : i32
        %dma_start3A_128 = tpu.memref_slice %arg13[%mul3A_127, %dma_start3A] : memref<10000x160xf32, #tpu.memory_space<vmem_shared>> -> memref<80x160xf32, #tpu.memory_space<vmem_shared>>
        %dma_start3A_129 = arith.constant 0 : i32
        %dma_start3A_130 = tpu.memref_slice %arg13[%mul3A_127, %dma_start3A_129] : memref<10000x160xf32, #tpu.memory_space<vmem_shared>> -> memref<80x160xf32, #tpu.memory_space<vmem_shared>>
        tpu.enqueue_dma source(%arg10 : memref<80x160xf32, #tpu.memory_space<vmem>>) target(%dma_start3A_130 : memref<80x160xf32, #tpu.memory_space<vmem_shared>>) target_semaphore(%run_scoped3A : memref<!tpu.dma_semaphore, #tpu.memory_space<semaphore_mem>>)
        %dma_wait3A = arith.constant 0 : i32
        %dma_wait3A_131 = tpu.memref_slice %arg13[%mul3A_127, %dma_wait3A] : memref<10000x160xf32, #tpu.memory_space<vmem_shared>> -> memref<80x160xf32, #tpu.memory_space<vmem_shared>>
        %dma_wait3A_132 = arith.constant 0 : i32
        %dma_wait3A_133 = tpu.memref_slice %arg13[%mul3A_127, %dma_wait3A_132] : memref<10000x160xf32, #tpu.memory_space<vmem_shared>> -> memref<80x160xf32, #tpu.memory_space<vmem_shared>>
        tpu.wait_dma2 semaphore(%run_scoped3A : memref<!tpu.dma_semaphore, #tpu.memory_space<semaphore_mem>>) src(%arg10 : memref<80x160xf32, #tpu.memory_space<vmem>>) dst(%dma_wait3A_133 : memref<80x160xf32, #tpu.memory_space<vmem_shared>>)
        tpu.yield
      }) : () -> ()
    } else {
    }
    %add3A_39 = arith.constant 80 : i32
    %add3A_40 = arith.addi %arg1, %add3A_39 : i32
    %lt3A_41 = arith.constant 125 : i32
    %lt3A_42 = arith.cmpi slt, %add3A_40, %lt3A_41 : i32
    %convert_element_type3A_43 = arith.extui %lt3A_42 : i1 to i32
    %cond3A_44 = arith.constant 0 : i32
    %cond3A_45 = arith.cmpi ne, %convert_element_type3A_43, %cond3A_44 : i32
    scf.if %cond3A_45 {
      %mul3A_126 = arith.constant 80 : i32
      %mul3A_127 = arith.muli %add3A_40, %mul3A_126 : i32
      "tpu.region"() ({
        %run_scoped3A = tpu.sem_alloc : memref<!tpu.dma_semaphore, #tpu.memory_space<semaphore_mem>>
        %dma_start3A = arith.constant 0 : i32
        %dma_start3A_128 = tpu.memref_slice %arg13[%mul3A_127, %dma_start3A] : memref<10000x160xf32, #tpu.memory_space<vmem_shared>> -> memref<80x160xf32, #tpu.memory_space<vmem_shared>>
        %dma_start3A_129 = arith.constant 0 : i32
        %dma_start3A_130 = tpu.memref_slice %arg13[%mul3A_127, %dma_start3A_129] : memref<10000x160xf32, #tpu.memory_space<vmem_shared>> -> memref<80x160xf32, #tpu.memory_space<vmem_shared>>
        tpu.enqueue_dma source(%arg10 : memref<80x160xf32, #tpu.memory_space<vmem>>) target(%dma_start3A_130 : memref<80x160xf32, #tpu.memory_space<vmem_shared>>) target_semaphore(%run_scoped3A : memref<!tpu.dma_semaphore, #tpu.memory_space<semaphore_mem>>)
        %dma_wait3A = arith.constant 0 : i32
        %dma_wait3A_131 = tpu.memref_slice %arg13[%mul3A_127, %dma_wait3A] : memref<10000x160xf32, #tpu.memory_space<vmem_shared>> -> memref<80x160xf32, #tpu.memory_space<vmem_shared>>
        %dma_wait3A_132 = arith.constant 0 : i32
        %dma_wait3A_133 = tpu.memref_slice %arg13[%mul3A_127, %dma_wait3A_132] : memref<10000x160xf32, #tpu.memory_space<vmem_shared>> -> memref<80x160xf32, #tpu.memory_space<vmem_shared>>
        tpu.wait_dma2 semaphore(%run_scoped3A : memref<!tpu.dma_semaphore, #tpu.memory_space<semaphore_mem>>) src(%arg10 : memref<80x160xf32, #tpu.memory_space<vmem>>) dst(%dma_wait3A_133 : memref<80x160xf32, #tpu.memory_space<vmem_shared>>)
        tpu.yield
      }) : () -> ()
    } else {
    }
    %add3A_46 = arith.constant 96 : i32
    %add3A_47 = arith.addi %arg1, %add3A_46 : i32
    %lt3A_48 = arith.constant 125 : i32
    %lt3A_49 = arith.cmpi slt, %add3A_47, %lt3A_48 : i32
    %convert_element_type3A_50 = arith.extui %lt3A_49 : i1 to i32
    %cond3A_51 = arith.constant 0 : i32
    %cond3A_52 = arith.cmpi ne, %convert_element_type3A_50, %cond3A_51 : i32
    scf.if %cond3A_52 {
      %mul3A_126 = arith.constant 80 : i32
      %mul3A_127 = arith.muli %add3A_47, %mul3A_126 : i32
      "tpu.region"() ({
        %run_scoped3A = tpu.sem_alloc : memref<!tpu.dma_semaphore, #tpu.memory_space<semaphore_mem>>
        %dma_start3A = arith.constant 0 : i32
        %dma_start3A_128 = tpu.memref_slice %arg13[%mul3A_127, %dma_start3A] : memref<10000x160xf32, #tpu.memory_space<vmem_shared>> -> memref<80x160xf32, #tpu.memory_space<vmem_shared>>
        %dma_start3A_129 = arith.constant 0 : i32
        %dma_start3A_130 = tpu.memref_slice %arg13[%mul3A_127, %dma_start3A_129] : memref<10000x160xf32, #tpu.memory_space<vmem_shared>> -> memref<80x160xf32, #tpu.memory_space<vmem_shared>>
        tpu.enqueue_dma source(%arg10 : memref<80x160xf32, #tpu.memory_space<vmem>>) target(%dma_start3A_130 : memref<80x160xf32, #tpu.memory_space<vmem_shared>>) target_semaphore(%run_scoped3A : memref<!tpu.dma_semaphore, #tpu.memory_space<semaphore_mem>>)
        %dma_wait3A = arith.constant 0 : i32
        %dma_wait3A_131 = tpu.memref_slice %arg13[%mul3A_127, %dma_wait3A] : memref<10000x160xf32, #tpu.memory_space<vmem_shared>> -> memref<80x160xf32, #tpu.memory_space<vmem_shared>>
        %dma_wait3A_132 = arith.constant 0 : i32
        %dma_wait3A_133 = tpu.memref_slice %arg13[%mul3A_127, %dma_wait3A_132] : memref<10000x160xf32, #tpu.memory_space<vmem_shared>> -> memref<80x160xf32, #tpu.memory_space<vmem_shared>>
        tpu.wait_dma2 semaphore(%run_scoped3A : memref<!tpu.dma_semaphore, #tpu.memory_space<semaphore_mem>>) src(%arg10 : memref<80x160xf32, #tpu.memory_space<vmem>>) dst(%dma_wait3A_133 : memref<80x160xf32, #tpu.memory_space<vmem_shared>>)
        tpu.yield
      }) : () -> ()
    } else {
    }
    %add3A_53 = arith.constant 112 : i32
    %add3A_54 = arith.addi %arg1, %add3A_53 : i32
    %lt3A_55 = arith.constant 125 : i32
    %lt3A_56 = arith.cmpi slt, %add3A_54, %lt3A_55 : i32
    %convert_element_type3A_57 = arith.extui %lt3A_56 : i1 to i32
    %cond3A_58 = arith.constant 0 : i32
    %cond3A_59 = arith.cmpi ne, %convert_element_type3A_57, %cond3A_58 : i32
    scf.if %cond3A_59 {
      %mul3A_126 = arith.constant 80 : i32
      %mul3A_127 = arith.muli %add3A_54, %mul3A_126 : i32
      "tpu.region"() ({
        %run_scoped3A = tpu.sem_alloc : memref<!tpu.dma_semaphore, #tpu.memory_space<semaphore_mem>>
        %dma_start3A = arith.constant 0 : i32
        %dma_start3A_128 = tpu.memref_slice %arg13[%mul3A_127, %dma_start3A] : memref<10000x160xf32, #tpu.memory_space<vmem_shared>> -> memref<80x160xf32, #tpu.memory_space<vmem_shared>>
        %dma_start3A_129 = arith.constant 0 : i32
        %dma_start3A_130 = tpu.memref_slice %arg13[%mul3A_127, %dma_start3A_129] : memref<10000x160xf32, #tpu.memory_space<vmem_shared>> -> memref<80x160xf32, #tpu.memory_space<vmem_shared>>
        tpu.enqueue_dma source(%arg10 : memref<80x160xf32, #tpu.memory_space<vmem>>) target(%dma_start3A_130 : memref<80x160xf32, #tpu.memory_space<vmem_shared>>) target_semaphore(%run_scoped3A : memref<!tpu.dma_semaphore, #tpu.memory_space<semaphore_mem>>)
        %dma_wait3A = arith.constant 0 : i32
        %dma_wait3A_131 = tpu.memref_slice %arg13[%mul3A_127, %dma_wait3A] : memref<10000x160xf32, #tpu.memory_space<vmem_shared>> -> memref<80x160xf32, #tpu.memory_space<vmem_shared>>
        %dma_wait3A_132 = arith.constant 0 : i32
        %dma_wait3A_133 = tpu.memref_slice %arg13[%mul3A_127, %dma_wait3A_132] : memref<10000x160xf32, #tpu.memory_space<vmem_shared>> -> memref<80x160xf32, #tpu.memory_space<vmem_shared>>
        tpu.wait_dma2 semaphore(%run_scoped3A : memref<!tpu.dma_semaphore, #tpu.memory_space<semaphore_mem>>) src(%arg10 : memref<80x160xf32, #tpu.memory_space<vmem>>) dst(%dma_wait3A_133 : memref<80x160xf32, #tpu.memory_space<vmem_shared>>)
        tpu.yield
      }) : () -> ()
    } else {
    }
    %barrier3A = arith.constant 0 : index
    tpu.barrier barrier_id(%barrier3A)
    %mul3A_60 = arith.constant 10000 : i32
    %mul3A_61 = arith.muli %add3A, %mul3A_60 : i32
    %scan3A_62 = arith.constant 0 : i32
    %scan3A_63 = arith.constant 0 : i32
    %scan3A_64 = arith.constant 125 : i32
    %scan3A_65 = arith.addi %scan3A_63, %scan3A_64 : i32
    %scan3A_66 = arith.constant 1 : i32
    %scan3A_67 = scf.for %scan3A_126 = %scan3A_63 to %scan3A_65 step %scan3A_66 iter_args(%scan3A_127 = %scan3A_62) -> (i32)  : i32 {
      %mul3A_128 = arith.constant 80 : i32
      %mul3A_129 = arith.muli %scan3A_126, %mul3A_128 : i32
      %add3A_130 = arith.addi %mul3A_61, %mul3A_129 : i32
      %jit3A = arith.constant 25 : i32
      %eq3A = arith.constant 0 : i32
      %eq3A_131 = arith.cmpi eq, %jit3A, %eq3A : i32
      %jit3A_132 = arith.constant 1 : i32
      %select_n3A = arith.select %eq3A_131, %jit3A_132, %jit3A : i32
      %rem3A = arith.remsi %scan3A_126, %select_n3A : i32
      %ne3A = arith.constant 0 : i32
      %ne3A_133 = arith.cmpi ne, %rem3A, %ne3A : i32
      %lt3A_134 = arith.constant 0 : i32
      %lt3A_135 = arith.cmpi slt, %rem3A, %lt3A_134 : i32
      %lt3A_136 = arith.constant 0 : i32
      %lt3A_137 = arith.cmpi slt, %select_n3A, %lt3A_136 : i32
      %ne3A_138 = arith.xori %lt3A_135, %lt3A_137 : i1
      %and3A = arith.andi %ne3A_138, %ne3A_133 : i1
      %add3A_139 = arith.addi %rem3A, %select_n3A : i32
      %select_n3A_140 = arith.select %and3A, %add3A_139, %rem3A : i32
      %eq3A_141 = arith.constant 0 : i32
      %eq3A_142 = arith.cmpi eq, %select_n3A_140, %eq3A_141 : i32
      %convert_element_type3A_143 = arith.extui %eq3A_142 : i1 to i32
      %cond3A_144 = arith.constant 0 : i32
      %cond3A_145 = arith.cmpi ne, %convert_element_type3A_143, %cond3A_144 : i32
      scf.if %cond3A_145 {
        "tpu.region"() ({
          %run_scoped3A = tpu.sem_alloc : memref<!tpu.dma_semaphore, #tpu.memory_space<semaphore_mem>>
          %dma_start3A_175 = tpu.memref_slice %arg2[%add3A_130] : memref<320000xi32, #tpu.memory_space<hbm>> -> memref<2000xi32, #tpu.memory_space<hbm>>
          %dma_start3A_176 = tpu.memref_slice %arg2[%add3A_130] : memref<320000xi32, #tpu.memory_space<hbm>> -> memref<2000xi32, #tpu.memory_space<hbm>>
          tpu.enqueue_dma source(%dma_start3A_176 : memref<2000xi32, #tpu.memory_space<hbm>>) target(%arg8 : memref<2000xi32, #tpu.memory_space<vmem>>) target_semaphore(%run_scoped3A : memref<!tpu.dma_semaphore, #tpu.memory_space<semaphore_mem>>)
          %dma_wait3A_177 = tpu.memref_slice %arg2[%add3A_130] : memref<320000xi32, #tpu.memory_space<hbm>> -> memref<2000xi32, #tpu.memory_space<hbm>>
          %dma_wait3A_178 = tpu.memref_slice %arg2[%add3A_130] : memref<320000xi32, #tpu.memory_space<hbm>> -> memref<2000xi32, #tpu.memory_space<hbm>>
          tpu.wait_dma2 semaphore(%run_scoped3A : memref<!tpu.dma_semaphore, #tpu.memory_space<semaphore_mem>>) src(%dma_wait3A_178 : memref<2000xi32, #tpu.memory_space<hbm>>) dst(%arg8 : memref<2000xi32, #tpu.memory_space<vmem>>)
          tpu.yield
        }) : () -> ()
        "tpu.region"() ({
          %run_scoped3A = tpu.sem_alloc : memref<!tpu.dma_semaphore, #tpu.memory_space<semaphore_mem>>
          %dma_start3A_175 = tpu.memref_slice %arg3[%add3A_130] : memref<320000xi32, #tpu.memory_space<hbm>> -> memref<2000xi32, #tpu.memory_space<hbm>>
          %dma_start3A_176 = tpu.memref_slice %arg3[%add3A_130] : memref<320000xi32, #tpu.memory_space<hbm>> -> memref<2000xi32, #tpu.memory_space<hbm>>
          tpu.enqueue_dma source(%dma_start3A_176 : memref<2000xi32, #tpu.memory_space<hbm>>) target(%arg9 : memref<2000xi32, #tpu.memory_space<vmem>>) target_semaphore(%run_scoped3A : memref<!tpu.dma_semaphore, #tpu.memory_space<semaphore_mem>>)
          %dma_wait3A_177 = tpu.memref_slice %arg3[%add3A_130] : memref<320000xi32, #tpu.memory_space<hbm>> -> memref<2000xi32, #tpu.memory_space<hbm>>
          %dma_wait3A_178 = tpu.memref_slice %arg3[%add3A_130] : memref<320000xi32, #tpu.memory_space<hbm>> -> memref<2000xi32, #tpu.memory_space<hbm>>
          tpu.wait_dma2 semaphore(%run_scoped3A : memref<!tpu.dma_semaphore, #tpu.memory_space<semaphore_mem>>) src(%dma_wait3A_178 : memref<2000xi32, #tpu.memory_space<hbm>>) dst(%arg9 : memref<2000xi32, #tpu.memory_space<vmem>>)
          tpu.yield
        }) : () -> ()
      } else {
      }
      %mul3A_146 = arith.constant 80 : i32
      %mul3A_147 = arith.muli %select_n3A_140, %mul3A_146 : i32
      %dma_start3A = tpu.memref_slice %arg8[%mul3A_147] : memref<2000xi32, #tpu.memory_space<vmem>> -> memref<80xi32, #tpu.memory_space<vmem>>
      %dma_start3A_148 = arith.constant 0 : i32
      %dma_start3A_149 = arith.constant 0 : i32
      %dma_start3A_150 = tpu.memref_slice %arg6[%dma_start3A_148, %dma_start3A_149] : memref<10000x160xf32, #tpu.memory_space<hbm>> -> memref<10000x160xf32, #tpu.memory_space<hbm>>
      tpu.enqueue_indirect_dma source(%dma_start3A_150 : memref<10000x160xf32, #tpu.memory_space<hbm>>) target(%arg10 : memref<80x160xf32, #tpu.memory_space<vmem>>) offsets(%dma_start3A : memref<80xi32, #tpu.memory_space<vmem>>) semaphore(%arg14 : memref<!tpu.dma_semaphore, #tpu.memory_space<semaphore_mem>>)
      %dma_start3A_151 = arith.constant 0 : i32
      %dma_start3A_152 = tpu.memref_slice %arg4[%add3A_130, %dma_start3A_151] : memref<320000x128xf32, #tpu.memory_space<hbm>> -> memref<80x128xf32, #tpu.memory_space<hbm>>
      %dma_start3A_153 = arith.constant 0 : i32
      %dma_start3A_154 = tpu.memref_slice %arg4[%add3A_130, %dma_start3A_153] : memref<320000x128xf32, #tpu.memory_space<hbm>> -> memref<80x128xf32, #tpu.memory_space<hbm>>
      tpu.enqueue_dma source(%dma_start3A_154 : memref<80x128xf32, #tpu.memory_space<hbm>>) target(%arg11 : memref<80x128xf32, #tpu.memory_space<vmem>>) target_semaphore(%arg15 : memref<!tpu.dma_semaphore, #tpu.memory_space<semaphore_mem>>)
      %dma_start3A_155 = arith.constant 0 : i32
      %dma_start3A_156 = tpu.memref_slice %arg5[%add3A_130, %dma_start3A_155] : memref<320000x16xf32, #tpu.memory_space<hbm>> -> memref<80x16xf32, #tpu.memory_space<hbm>>
      %dma_start3A_157 = arith.constant 0 : i32
      %dma_start3A_158 = tpu.memref_slice %arg5[%add3A_130, %dma_start3A_157] : memref<320000x16xf32, #tpu.memory_space<hbm>> -> memref<80x16xf32, #tpu.memory_space<hbm>>
      tpu.enqueue_dma source(%dma_start3A_158 : memref<80x16xf32, #tpu.memory_space<hbm>>) target(%arg12 : memref<80x16xf32, #tpu.memory_space<vmem>>) target_semaphore(%arg16 : memref<!tpu.dma_semaphore, #tpu.memory_space<semaphore_mem>>)
      %dma_wait3A = tpu.memref_slice %arg8[%mul3A_147] : memref<2000xi32, #tpu.memory_space<vmem>> -> memref<80xi32, #tpu.memory_space<vmem>>
      %dma_wait3A_159 = arith.constant 0 : i32
      %dma_wait3A_160 = arith.constant 0 : i32
      %dma_wait3A_161 = tpu.memref_slice %arg6[%dma_wait3A_159, %dma_wait3A_160] : memref<10000x160xf32, #tpu.memory_space<hbm>> -> memref<10000x160xf32, #tpu.memory_space<hbm>>
      tpu.wait_indirect_dma semaphore(%arg14 : memref<!tpu.dma_semaphore, #tpu.memory_space<semaphore_mem>>) src(%dma_wait3A_161 : memref<10000x160xf32, #tpu.memory_space<hbm>>) dst(%arg10 : memref<80x160xf32, #tpu.memory_space<vmem>>)
      %dma_wait3A_162 = arith.constant 0 : i32
      %dma_wait3A_163 = tpu.memref_slice %arg4[%add3A_130, %dma_wait3A_162] : memref<320000x128xf32, #tpu.memory_space<hbm>> -> memref<80x128xf32, #tpu.memory_space<hbm>>
      %dma_wait3A_164 = arith.constant 0 : i32
      %dma_wait3A_165 = tpu.memref_slice %arg4[%add3A_130, %dma_wait3A_164] : memref<320000x128xf32, #tpu.memory_space<hbm>> -> memref<80x128xf32, #tpu.memory_space<hbm>>
      tpu.wait_dma2 semaphore(%arg15 : memref<!tpu.dma_semaphore, #tpu.memory_space<semaphore_mem>>) src(%dma_wait3A_165 : memref<80x128xf32, #tpu.memory_space<hbm>>) dst(%arg11 : memref<80x128xf32, #tpu.memory_space<vmem>>)
      %dma_wait3A_166 = arith.constant 0 : i32
      %dma_wait3A_167 = tpu.memref_slice %arg5[%add3A_130, %dma_wait3A_166] : memref<320000x16xf32, #tpu.memory_space<hbm>> -> memref<80x16xf32, #tpu.memory_space<hbm>>
      %dma_wait3A_168 = arith.constant 0 : i32
      %dma_wait3A_169 = tpu.memref_slice %arg5[%add3A_130, %dma_wait3A_168] : memref<320000x16xf32, #tpu.memory_space<hbm>> -> memref<80x16xf32, #tpu.memory_space<hbm>>
      tpu.wait_dma2 semaphore(%arg16 : memref<!tpu.dma_semaphore, #tpu.memory_space<semaphore_mem>>) src(%dma_wait3A_169 : memref<80x16xf32, #tpu.memory_space<hbm>>) dst(%arg12 : memref<80x16xf32, #tpu.memory_space<vmem>>)
      %parallel_loop3A = arith.constant 0 : i32
      %parallel_loop3A_170 = arith.constant 80 : i32
      %parallel_loop3A_171 = arith.constant 1 : i32
      scf.for %parallel_loop3A_175 = %parallel_loop3A to %parallel_loop3A_170 step %parallel_loop3A_171  : i32 {
        %parallel_loop3A_176 = arith.index_cast %parallel_loop3A_175 : i32 to index
        %parallel_loop3A_177 = arith.constant 0 : index
        %parallel_loop3A_178 = tpu.vector_load %arg10[%parallel_loop3A_176, %parallel_loop3A_177] {strides = array<i32>} : memref<80x160xf32, #tpu.memory_space<vmem>>, vector<1x16xf32>,
        %parallel_loop3A_179 = vector.shape_cast %parallel_loop3A_178 : vector<1x16xf32> to vector<16xf32>
        %parallel_loop3A_180 = arith.index_cast %parallel_loop3A_175 : i32 to index
        %parallel_loop3A_181 = arith.constant 0 : index
        %parallel_loop3A_182 = tpu.vector_load %arg11[%parallel_loop3A_180, %parallel_loop3A_181] {strides = array<i32>} : memref<80x128xf32, #tpu.memory_space<vmem>>, vector<1x16xf32>,
        %parallel_loop3A_183 = vector.shape_cast %parallel_loop3A_182 : vector<1x16xf32> to vector<16xf32>
        %parallel_loop3A_184 = arith.addf %parallel_loop3A_179, %parallel_loop3A_183 : vector<16xf32>
        %parallel_loop3A_185 = arith.index_cast %parallel_loop3A_175 : i32 to index
        %parallel_loop3A_186 = arith.constant 16 : index
        %parallel_loop3A_187 = tpu.vector_load %arg10[%parallel_loop3A_185, %parallel_loop3A_186] {strides = array<i32>} : memref<80x160xf32, #tpu.memory_space<vmem>>, vector<1x16xf32>,
        %parallel_loop3A_188 = vector.shape_cast %parallel_loop3A_187 : vector<1x16xf32> to vector<16xf32>
        %parallel_loop3A_189 = arith.index_cast %parallel_loop3A_175 : i32 to index
        %parallel_loop3A_190 = arith.constant 16 : index
        %parallel_loop3A_191 = tpu.vector_load %arg11[%parallel_loop3A_189, %parallel_loop3A_190] {strides = array<i32>} : memref<80x128xf32, #tpu.memory_space<vmem>>, vector<1x16xf32>,
        %parallel_loop3A_192 = vector.shape_cast %parallel_loop3A_191 : vector<1x16xf32> to vector<16xf32>
        %parallel_loop3A_193 = arith.addf %parallel_loop3A_188, %parallel_loop3A_192 : vector<16xf32>
        %parallel_loop3A_194 = arith.index_cast %parallel_loop3A_175 : i32 to index
        %parallel_loop3A_195 = arith.constant 32 : index
        %parallel_loop3A_196 = tpu.vector_load %arg10[%parallel_loop3A_194, %parallel_loop3A_195] {strides = array<i32>} : memref<80x160xf32, #tpu.memory_space<vmem>>, vector<1x16xf32>,
        %parallel_loop3A_197 = vector.shape_cast %parallel_loop3A_196 : vector<1x16xf32> to vector<16xf32>
        %parallel_loop3A_198 = arith.index_cast %parallel_loop3A_175 : i32 to index
        %parallel_loop3A_199 = arith.constant 32 : index
        %parallel_loop3A_200 = tpu.vector_load %arg11[%parallel_loop3A_198, %parallel_loop3A_199] {strides = array<i32>} : memref<80x128xf32, #tpu.memory_space<vmem>>, vector<1x16xf32>,
        %parallel_loop3A_201 = vector.shape_cast %parallel_loop3A_200 : vector<1x16xf32> to vector<16xf32>
        %parallel_loop3A_202 = arith.addf %parallel_loop3A_197, %parallel_loop3A_201 : vector<16xf32>
        %parallel_loop3A_203 = arith.index_cast %parallel_loop3A_175 : i32 to index
        %parallel_loop3A_204 = arith.constant 48 : index
        %parallel_loop3A_205 = tpu.vector_load %arg10[%parallel_loop3A_203, %parallel_loop3A_204] {strides = array<i32>} : memref<80x160xf32, #tpu.memory_space<vmem>>, vector<1x16xf32>,
        %parallel_loop3A_206 = vector.shape_cast %parallel_loop3A_205 : vector<1x16xf32> to vector<16xf32>
        %parallel_loop3A_207 = arith.index_cast %parallel_loop3A_175 : i32 to index
        %parallel_loop3A_208 = arith.constant 48 : index
        %parallel_loop3A_209 = tpu.vector_load %arg11[%parallel_loop3A_207, %parallel_loop3A_208] {strides = array<i32>} : memref<80x128xf32, #tpu.memory_space<vmem>>, vector<1x16xf32>,
        %parallel_loop3A_210 = vector.shape_cast %parallel_loop3A_209 : vector<1x16xf32> to vector<16xf32>
        %parallel_loop3A_211 = arith.addf %parallel_loop3A_206, %parallel_loop3A_210 : vector<16xf32>
        %parallel_loop3A_212 = arith.index_cast %parallel_loop3A_175 : i32 to index
        %parallel_loop3A_213 = arith.constant 64 : index
        %parallel_loop3A_214 = tpu.vector_load %arg10[%parallel_loop3A_212, %parallel_loop3A_213] {strides = array<i32>} : memref<80x160xf32, #tpu.memory_space<vmem>>, vector<1x16xf32>,
        %parallel_loop3A_215 = vector.shape_cast %parallel_loop3A_214 : vector<1x16xf32> to vector<16xf32>
        %parallel_loop3A_216 = arith.index_cast %parallel_loop3A_175 : i32 to index
        %parallel_loop3A_217 = arith.constant 64 : index
        %parallel_loop3A_218 = tpu.vector_load %arg11[%parallel_loop3A_216, %parallel_loop3A_217] {strides = array<i32>} : memref<80x128xf32, #tpu.memory_space<vmem>>, vector<1x16xf32>,
        %parallel_loop3A_219 = vector.shape_cast %parallel_loop3A_218 : vector<1x16xf32> to vector<16xf32>
        %parallel_loop3A_220 = arith.addf %parallel_loop3A_215, %parallel_loop3A_219 : vector<16xf32>
        %parallel_loop3A_221 = arith.index_cast %parallel_loop3A_175 : i32 to index
        %parallel_loop3A_222 = arith.constant 80 : index
        %parallel_loop3A_223 = tpu.vector_load %arg10[%parallel_loop3A_221, %parallel_loop3A_222] {strides = array<i32>} : memref<80x160xf32, #tpu.memory_space<vmem>>, vector<1x16xf32>,
        %parallel_loop3A_224 = vector.shape_cast %parallel_loop3A_223 : vector<1x16xf32> to vector<16xf32>
        %parallel_loop3A_225 = arith.index_cast %parallel_loop3A_175 : i32 to index
        %parallel_loop3A_226 = arith.constant 80 : index
        %parallel_loop3A_227 = tpu.vector_load %arg11[%parallel_loop3A_225, %parallel_loop3A_226] {strides = array<i32>} : memref<80x128xf32, #tpu.memory_space<vmem>>, vector<1x16xf32>,
        %parallel_loop3A_228 = vector.shape_cast %parallel_loop3A_227 : vector<1x16xf32> to vector<16xf32>
        %parallel_loop3A_229 = arith.addf %parallel_loop3A_224, %parallel_loop3A_228 : vector<16xf32>
        %parallel_loop3A_230 = arith.index_cast %parallel_loop3A_175 : i32 to index
        %parallel_loop3A_231 = arith.constant 96 : index
        %parallel_loop3A_232 = tpu.vector_load %arg10[%parallel_loop3A_230, %parallel_loop3A_231] {strides = array<i32>} : memref<80x160xf32, #tpu.memory_space<vmem>>, vector<1x16xf32>,
        %parallel_loop3A_233 = vector.shape_cast %parallel_loop3A_232 : vector<1x16xf32> to vector<16xf32>
        %parallel_loop3A_234 = arith.index_cast %parallel_loop3A_175 : i32 to index
        %parallel_loop3A_235 = arith.constant 96 : index
        %parallel_loop3A_236 = tpu.vector_load %arg11[%parallel_loop3A_234, %parallel_loop3A_235] {strides = array<i32>} : memref<80x128xf32, #tpu.memory_space<vmem>>, vector<1x16xf32>,
        %parallel_loop3A_237 = vector.shape_cast %parallel_loop3A_236 : vector<1x16xf32> to vector<16xf32>
        %parallel_loop3A_238 = arith.addf %parallel_loop3A_233, %parallel_loop3A_237 : vector<16xf32>
        %parallel_loop3A_239 = arith.index_cast %parallel_loop3A_175 : i32 to index
        %parallel_loop3A_240 = arith.constant 112 : index
        %parallel_loop3A_241 = tpu.vector_load %arg10[%parallel_loop3A_239, %parallel_loop3A_240] {strides = array<i32>} : memref<80x160xf32, #tpu.memory_space<vmem>>, vector<1x16xf32>,
        %parallel_loop3A_242 = vector.shape_cast %parallel_loop3A_241 : vector<1x16xf32> to vector<16xf32>
        %parallel_loop3A_243 = arith.index_cast %parallel_loop3A_175 : i32 to index
        %parallel_loop3A_244 = arith.constant 112 : index
        %parallel_loop3A_245 = tpu.vector_load %arg11[%parallel_loop3A_243, %parallel_loop3A_244] {strides = array<i32>} : memref<80x128xf32, #tpu.memory_space<vmem>>, vector<1x16xf32>,
        %parallel_loop3A_246 = vector.shape_cast %parallel_loop3A_245 : vector<1x16xf32> to vector<16xf32>
        %parallel_loop3A_247 = arith.addf %parallel_loop3A_242, %parallel_loop3A_246 : vector<16xf32>
        %parallel_loop3A_248 = arith.index_cast %parallel_loop3A_175 : i32 to index
        %parallel_loop3A_249 = arith.constant 128 : index
        %parallel_loop3A_250 = tpu.vector_load %arg10[%parallel_loop3A_248, %parallel_loop3A_249] {strides = array<i32>} : memref<80x160xf32, #tpu.memory_space<vmem>>, vector<1x16xf32>,
        %parallel_loop3A_251 = vector.shape_cast %parallel_loop3A_250 : vector<1x16xf32> to vector<16xf32>
        %parallel_loop3A_252 = arith.index_cast %parallel_loop3A_175 : i32 to index
        %parallel_loop3A_253 = arith.constant 0 : index
        %parallel_loop3A_254 = tpu.vector_load %arg12[%parallel_loop3A_252, %parallel_loop3A_253] {strides = array<i32>} : memref<80x16xf32, #tpu.memory_space<vmem>>, vector<1x16xf32>,
        %parallel_loop3A_255 = vector.shape_cast %parallel_loop3A_254 : vector<1x16xf32> to vector<16xf32>
        %parallel_loop3A_256 = arith.addf %parallel_loop3A_251, %parallel_loop3A_255 : vector<16xf32>
        %parallel_loop3A_257 = arith.constant 1.000000e-01 : f32
        %parallel_loop3A_258 = vector.broadcast %parallel_loop3A_257 : f32 to vector<16xf32>
        %parallel_loop3A_259 = arith.mulf %parallel_loop3A_258, %parallel_loop3A_184 : vector<16xf32>
        %parallel_loop3A_260 = arith.maximumf %parallel_loop3A_184, %parallel_loop3A_259 : vector<16xf32>
        %parallel_loop3A_261 = arith.index_cast %parallel_loop3A_175 : i32 to index
        %parallel_loop3A_262 = arith.constant 0 : index
        %parallel_loop3A_263 = tpu.vector_load %arg10[%parallel_loop3A_261, %parallel_loop3A_262] {strides = array<i32>} : memref<80x160xf32, #tpu.memory_space<vmem>>, vector<1x16xf32>,
        %parallel_loop3A_264 = vector.shape_cast %parallel_loop3A_263 : vector<1x16xf32> to vector<16xf32>
        %parallel_loop3A_265 = vector.shape_cast %parallel_loop3A_260 : vector<16xf32> to vector<1x16xf32>
        tpu.vector_store %arg10[%parallel_loop3A_261, %parallel_loop3A_262], %parallel_loop3A_265 {strides = array<i32>} : memref<80x160xf32, #tpu.memory_space<vmem>>, vector<1x16xf32>,
        %parallel_loop3A_266 = arith.constant 1.000000e-01 : f32
        %parallel_loop3A_267 = vector.broadcast %parallel_loop3A_266 : f32 to vector<16xf32>
        %parallel_loop3A_268 = arith.mulf %parallel_loop3A_267, %parallel_loop3A_193 : vector<16xf32>
        %parallel_loop3A_269 = arith.maximumf %parallel_loop3A_193, %parallel_loop3A_268 : vector<16xf32>
        %parallel_loop3A_270 = arith.index_cast %parallel_loop3A_175 : i32 to index
        %parallel_loop3A_271 = arith.constant 16 : index
        %parallel_loop3A_272 = tpu.vector_load %arg10[%parallel_loop3A_270, %parallel_loop3A_271] {strides = array<i32>} : memref<80x160xf32, #tpu.memory_space<vmem>>, vector<1x16xf32>,
        %parallel_loop3A_273 = vector.shape_cast %parallel_loop3A_272 : vector<1x16xf32> to vector<16xf32>
        %parallel_loop3A_274 = vector.shape_cast %parallel_loop3A_269 : vector<16xf32> to vector<1x16xf32>
        tpu.vector_store %arg10[%parallel_loop3A_270, %parallel_loop3A_271], %parallel_loop3A_274 {strides = array<i32>} : memref<80x160xf32, #tpu.memory_space<vmem>>, vector<1x16xf32>,
        %parallel_loop3A_275 = arith.constant 1.000000e-01 : f32
        %parallel_loop3A_276 = vector.broadcast %parallel_loop3A_275 : f32 to vector<16xf32>
        %parallel_loop3A_277 = arith.mulf %parallel_loop3A_276, %parallel_loop3A_202 : vector<16xf32>
        %parallel_loop3A_278 = arith.maximumf %parallel_loop3A_202, %parallel_loop3A_277 : vector<16xf32>
        %parallel_loop3A_279 = arith.index_cast %parallel_loop3A_175 : i32 to index
        %parallel_loop3A_280 = arith.constant 32 : index
        %parallel_loop3A_281 = tpu.vector_load %arg10[%parallel_loop3A_279, %parallel_loop3A_280] {strides = array<i32>} : memref<80x160xf32, #tpu.memory_space<vmem>>, vector<1x16xf32>,
        %parallel_loop3A_282 = vector.shape_cast %parallel_loop3A_281 : vector<1x16xf32> to vector<16xf32>
        %parallel_loop3A_283 = vector.shape_cast %parallel_loop3A_278 : vector<16xf32> to vector<1x16xf32>
        tpu.vector_store %arg10[%parallel_loop3A_279, %parallel_loop3A_280], %parallel_loop3A_283 {strides = array<i32>} : memref<80x160xf32, #tpu.memory_space<vmem>>, vector<1x16xf32>,
        %parallel_loop3A_284 = arith.constant 1.000000e-01 : f32
        %parallel_loop3A_285 = vector.broadcast %parallel_loop3A_284 : f32 to vector<16xf32>
        %parallel_loop3A_286 = arith.mulf %parallel_loop3A_285, %parallel_loop3A_211 : vector<16xf32>
        %parallel_loop3A_287 = arith.maximumf %parallel_loop3A_211, %parallel_loop3A_286 : vector<16xf32>
        %parallel_loop3A_288 = arith.index_cast %parallel_loop3A_175 : i32 to index
        %parallel_loop3A_289 = arith.constant 48 : index
        %parallel_loop3A_290 = tpu.vector_load %arg10[%parallel_loop3A_288, %parallel_loop3A_289] {strides = array<i32>} : memref<80x160xf32, #tpu.memory_space<vmem>>, vector<1x16xf32>,
        %parallel_loop3A_291 = vector.shape_cast %parallel_loop3A_290 : vector<1x16xf32> to vector<16xf32>
        %parallel_loop3A_292 = vector.shape_cast %parallel_loop3A_287 : vector<16xf32> to vector<1x16xf32>
        tpu.vector_store %arg10[%parallel_loop3A_288, %parallel_loop3A_289], %parallel_loop3A_292 {strides = array<i32>} : memref<80x160xf32, #tpu.memory_space<vmem>>, vector<1x16xf32>,
        %parallel_loop3A_293 = arith.constant 1.000000e-01 : f32
        %parallel_loop3A_294 = vector.broadcast %parallel_loop3A_293 : f32 to vector<16xf32>
        %parallel_loop3A_295 = arith.mulf %parallel_loop3A_294, %parallel_loop3A_220 : vector<16xf32>
        %parallel_loop3A_296 = arith.maximumf %parallel_loop3A_220, %parallel_loop3A_295 : vector<16xf32>
        %parallel_loop3A_297 = arith.index_cast %parallel_loop3A_175 : i32 to index
        %parallel_loop3A_298 = arith.constant 64 : index
        %parallel_loop3A_299 = tpu.vector_load %arg10[%parallel_loop3A_297, %parallel_loop3A_298] {strides = array<i32>} : memref<80x160xf32, #tpu.memory_space<vmem>>, vector<1x16xf32>,
        %parallel_loop3A_300 = vector.shape_cast %parallel_loop3A_299 : vector<1x16xf32> to vector<16xf32>
        %parallel_loop3A_301 = vector.shape_cast %parallel_loop3A_296 : vector<16xf32> to vector<1x16xf32>
        tpu.vector_store %arg10[%parallel_loop3A_297, %parallel_loop3A_298], %parallel_loop3A_301 {strides = array<i32>} : memref<80x160xf32, #tpu.memory_space<vmem>>, vector<1x16xf32>,
        %parallel_loop3A_302 = arith.constant 1.000000e-01 : f32
        %parallel_loop3A_303 = vector.broadcast %parallel_loop3A_302 : f32 to vector<16xf32>
        %parallel_loop3A_304 = arith.mulf %parallel_loop3A_303, %parallel_loop3A_229 : vector<16xf32>
        %parallel_loop3A_305 = arith.maximumf %parallel_loop3A_229, %parallel_loop3A_304 : vector<16xf32>
        %parallel_loop3A_306 = arith.index_cast %parallel_loop3A_175 : i32 to index
        %parallel_loop3A_307 = arith.constant 80 : index
        %parallel_loop3A_308 = tpu.vector_load %arg10[%parallel_loop3A_306, %parallel_loop3A_307] {strides = array<i32>} : memref<80x160xf32, #tpu.memory_space<vmem>>, vector<1x16xf32>,
        %parallel_loop3A_309 = vector.shape_cast %parallel_loop3A_308 : vector<1x16xf32> to vector<16xf32>
        %parallel_loop3A_310 = vector.shape_cast %parallel_loop3A_305 : vector<16xf32> to vector<1x16xf32>
        tpu.vector_store %arg10[%parallel_loop3A_306, %parallel_loop3A_307], %parallel_loop3A_310 {strides = array<i32>} : memref<80x160xf32, #tpu.memory_space<vmem>>, vector<1x16xf32>,
        %parallel_loop3A_311 = arith.constant 1.000000e-01 : f32
        %parallel_loop3A_312 = vector.broadcast %parallel_loop3A_311 : f32 to vector<16xf32>
        %parallel_loop3A_313 = arith.mulf %parallel_loop3A_312, %parallel_loop3A_238 : vector<16xf32>
        %parallel_loop3A_314 = arith.maximumf %parallel_loop3A_238, %parallel_loop3A_313 : vector<16xf32>
        %parallel_loop3A_315 = arith.index_cast %parallel_loop3A_175 : i32 to index
        %parallel_loop3A_316 = arith.constant 96 : index
        %parallel_loop3A_317 = tpu.vector_load %arg10[%parallel_loop3A_315, %parallel_loop3A_316] {strides = array<i32>} : memref<80x160xf32, #tpu.memory_space<vmem>>, vector<1x16xf32>,
        %parallel_loop3A_318 = vector.shape_cast %parallel_loop3A_317 : vector<1x16xf32> to vector<16xf32>
        %parallel_loop3A_319 = vector.shape_cast %parallel_loop3A_314 : vector<16xf32> to vector<1x16xf32>
        tpu.vector_store %arg10[%parallel_loop3A_315, %parallel_loop3A_316], %parallel_loop3A_319 {strides = array<i32>} : memref<80x160xf32, #tpu.memory_space<vmem>>, vector<1x16xf32>,
        %parallel_loop3A_320 = arith.constant 1.000000e-01 : f32
        %parallel_loop3A_321 = vector.broadcast %parallel_loop3A_320 : f32 to vector<16xf32>
        %parallel_loop3A_322 = arith.mulf %parallel_loop3A_321, %parallel_loop3A_247 : vector<16xf32>
        %parallel_loop3A_323 = arith.maximumf %parallel_loop3A_247, %parallel_loop3A_322 : vector<16xf32>
        %parallel_loop3A_324 = arith.index_cast %parallel_loop3A_175 : i32 to index
        %parallel_loop3A_325 = arith.constant 112 : index
        %parallel_loop3A_326 = tpu.vector_load %arg10[%parallel_loop3A_324, %parallel_loop3A_325] {strides = array<i32>} : memref<80x160xf32, #tpu.memory_space<vmem>>, vector<1x16xf32>,
        %parallel_loop3A_327 = vector.shape_cast %parallel_loop3A_326 : vector<1x16xf32> to vector<16xf32>
        %parallel_loop3A_328 = vector.shape_cast %parallel_loop3A_323 : vector<16xf32> to vector<1x16xf32>
        tpu.vector_store %arg10[%parallel_loop3A_324, %parallel_loop3A_325], %parallel_loop3A_328 {strides = array<i32>} : memref<80x160xf32, #tpu.memory_space<vmem>>, vector<1x16xf32>,
        %parallel_loop3A_329 = arith.constant 1.000000e-01 : f32
        %parallel_loop3A_330 = vector.broadcast %parallel_loop3A_329 : f32 to vector<16xf32>
        %parallel_loop3A_331 = arith.mulf %parallel_loop3A_330, %parallel_loop3A_256 : vector<16xf32>
        %parallel_loop3A_332 = arith.maximumf %parallel_loop3A_256, %parallel_loop3A_331 : vector<16xf32>
        %parallel_loop3A_333 = arith.index_cast %parallel_loop3A_175 : i32 to index
        %parallel_loop3A_334 = arith.constant 128 : index
        %parallel_loop3A_335 = tpu.vector_load %arg10[%parallel_loop3A_333, %parallel_loop3A_334] {strides = array<i32>} : memref<80x160xf32, #tpu.memory_space<vmem>>, vector<1x16xf32>,
        %parallel_loop3A_336 = vector.shape_cast %parallel_loop3A_335 : vector<1x16xf32> to vector<16xf32>
        %parallel_loop3A_337 = vector.shape_cast %parallel_loop3A_332 : vector<16xf32> to vector<1x16xf32>
        tpu.vector_store %arg10[%parallel_loop3A_333, %parallel_loop3A_334], %parallel_loop3A_337 {strides = array<i32>} : memref<80x160xf32, #tpu.memory_space<vmem>>, vector<1x16xf32>,
      } {sc.loop_unroll_factor = 2 : i64, sc.parallel_access}
      %mul3A_172 = arith.constant 80 : i32
      %mul3A_173 = arith.muli %select_n3A_140, %mul3A_172 : i32
      "tpu.region"() ({
        %run_scoped3A = tpu.sem_alloc : memref<!tpu.dma_semaphore, #tpu.memory_space<semaphore_mem>>
        %dma_start3A_175 = tpu.memref_slice %arg9[%mul3A_173] : memref<2000xi32, #tpu.memory_space<vmem>> -> memref<80xi32, #tpu.memory_space<vmem>>
        %dma_start3A_176 = arith.constant 0 : i32
        %dma_start3A_177 = arith.constant 0 : i32
        %dma_start3A_178 = tpu.memref_slice %arg13[%dma_start3A_176, %dma_start3A_177] : memref<10000x160xf32, #tpu.memory_space<vmem_shared>> -> memref<10000x160xf32, #tpu.memory_space<vmem_shared>>
        tpu.enqueue_indirect_dma source(%arg10 : memref<80x160xf32, #tpu.memory_space<vmem>>) target(%dma_start3A_178 : memref<10000x160xf32, #tpu.memory_space<vmem_shared>>) offsets(%dma_start3A_175 : memref<80xi32, #tpu.memory_space<vmem>>) semaphore(%run_scoped3A : memref<!tpu.dma_semaphore, #tpu.memory_space<semaphore_mem>>) {add = true}
        %dma_wait3A_179 = tpu.memref_slice %arg9[%mul3A_173] : memref<2000xi32, #tpu.memory_space<vmem>> -> memref<80xi32, #tpu.memory_space<vmem>>
        %dma_wait3A_180 = arith.constant 0 : i32
        %dma_wait3A_181 = arith.constant 0 : i32
        %dma_wait3A_182 = tpu.memref_slice %arg13[%dma_wait3A_180, %dma_wait3A_181] : memref<10000x160xf32, #tpu.memory_space<vmem_shared>> -> memref<10000x160xf32, #tpu.memory_space<vmem_shared>>
        tpu.wait_indirect_dma semaphore(%run_scoped3A : memref<!tpu.dma_semaphore, #tpu.memory_space<semaphore_mem>>) src(%arg10 : memref<80x160xf32, #tpu.memory_space<vmem>>) dst(%dma_wait3A_182 : memref<10000x160xf32, #tpu.memory_space<vmem_shared>>)
        tpu.yield
      }) : () -> ()
      %scan3A_174 = arith.constant 0 : i32
      scf.yield %scan3A_174 : i32
    }
    %scan3A_68 = arith.constant 125 : i32
    %barrier3A_69 = arith.constant 0 : index
    tpu.barrier barrier_id(%barrier3A_69)
    %add3A_70 = arith.constant 0 : i32
    %add3A_71 = arith.addi %arg1, %add3A_70 : i32
    %lt3A_72 = arith.constant 125 : i32
    %lt3A_73 = arith.cmpi slt, %add3A_71, %lt3A_72 : i32
    %convert_element_type3A_74 = arith.extui %lt3A_73 : i1 to i32
    %cond3A_75 = arith.constant 0 : i32
    %cond3A_76 = arith.cmpi ne, %convert_element_type3A_74, %cond3A_75 : i32
    scf.if %cond3A_76 {
      %mul3A_126 = arith.constant 80 : i32
      %mul3A_127 = arith.muli %add3A_71, %mul3A_126 : i32
      "tpu.region"() ({
        %run_scoped3A = tpu.sem_alloc : memref<!tpu.dma_semaphore, #tpu.memory_space<semaphore_mem>>
        %dma_start3A = arith.constant 0 : i32
        %dma_start3A_128 = tpu.memref_slice %arg13[%mul3A_127, %dma_start3A] : memref<10000x160xf32, #tpu.memory_space<vmem_shared>> -> memref<80x160xf32, #tpu.memory_space<vmem_shared>>
        %dma_start3A_129 = arith.constant 0 : i32
        %dma_start3A_130 = tpu.memref_slice %arg13[%mul3A_127, %dma_start3A_129] : memref<10000x160xf32, #tpu.memory_space<vmem_shared>> -> memref<80x160xf32, #tpu.memory_space<vmem_shared>>
        tpu.enqueue_dma source(%dma_start3A_130 : memref<80x160xf32, #tpu.memory_space<vmem_shared>>) target(%arg10 : memref<80x160xf32, #tpu.memory_space<vmem>>) target_semaphore(%run_scoped3A : memref<!tpu.dma_semaphore, #tpu.memory_space<semaphore_mem>>)
        %dma_wait3A = arith.constant 0 : i32
        %dma_wait3A_131 = tpu.memref_slice %arg13[%mul3A_127, %dma_wait3A] : memref<10000x160xf32, #tpu.memory_space<vmem_shared>> -> memref<80x160xf32, #tpu.memory_space<vmem_shared>>
        %dma_wait3A_132 = arith.constant 0 : i32
        %dma_wait3A_133 = tpu.memref_slice %arg13[%mul3A_127, %dma_wait3A_132] : memref<10000x160xf32, #tpu.memory_space<vmem_shared>> -> memref<80x160xf32, #tpu.memory_space<vmem_shared>>
        tpu.wait_dma2 semaphore(%run_scoped3A : memref<!tpu.dma_semaphore, #tpu.memory_space<semaphore_mem>>) src(%dma_wait3A_133 : memref<80x160xf32, #tpu.memory_space<vmem_shared>>) dst(%arg10 : memref<80x160xf32, #tpu.memory_space<vmem>>)
        tpu.yield
      }) : () -> ()
      "tpu.region"() ({
        %run_scoped3A = tpu.sem_alloc : memref<!tpu.dma_semaphore, #tpu.memory_space<semaphore_mem>>
        %dma_start3A = arith.constant 0 : i32
        %dma_start3A_128 = tpu.memref_slice %arg7[%arg0, %mul3A_127, %dma_start3A] : memref<2x10000x160xf32, #tpu.memory_space<hbm>> -> memref<1x80x160xf32, #tpu.memory_space<hbm>>
        %dma_start3A_129 = tpu.memref_squeeze %dma_start3A_128 : memref<1x80x160xf32, #tpu.memory_space<hbm>> -> memref<80x160xf32, #tpu.memory_space<hbm>>
        %dma_start3A_130 = arith.constant 0 : i32
        %dma_start3A_131 = tpu.memref_slice %arg7[%arg0, %mul3A_127, %dma_start3A_130] : memref<2x10000x160xf32, #tpu.memory_space<hbm>> -> memref<1x80x160xf32, #tpu.memory_space<hbm>>
        %dma_start3A_132 = tpu.memref_squeeze %dma_start3A_131 : memref<1x80x160xf32, #tpu.memory_space<hbm>> -> memref<80x160xf32, #tpu.memory_space<hbm>>
        tpu.enqueue_dma source(%arg10 : memref<80x160xf32, #tpu.memory_space<vmem>>) target(%dma_start3A_132 : memref<80x160xf32, #tpu.memory_space<hbm>>) target_semaphore(%run_scoped3A : memref<!tpu.dma_semaphore, #tpu.memory_space<semaphore_mem>>)
        %dma_wait3A = arith.constant 0 : i32
        %dma_wait3A_133 = tpu.memref_slice %arg7[%arg0, %mul3A_127, %dma_wait3A] : memref<2x10000x160xf32, #tpu.memory_space<hbm>> -> memref<1x80x160xf32, #tpu.memory_space<hbm>>
        %dma_wait3A_134 = tpu.memref_squeeze %dma_wait3A_133 : memref<1x80x160xf32, #tpu.memory_space<hbm>> -> memref<80x160xf32, #tpu.memory_space<hbm>>
        %dma_wait3A_135 = arith.constant 0 : i32
        %dma_wait3A_136 = tpu.memref_slice %arg7[%arg0, %mul3A_127, %dma_wait3A_135] : memref<2x10000x160xf32, #tpu.memory_space<hbm>> -> memref<1x80x160xf32, #tpu.memory_space<hbm>>
        %dma_wait3A_137 = tpu.memref_squeeze %dma_wait3A_136 : memref<1x80x160xf32, #tpu.memory_space<hbm>> -> memref<80x160xf32, #tpu.memory_space<hbm>>
        tpu.wait_dma2 semaphore(%run_scoped3A : memref<!tpu.dma_semaphore, #tpu.memory_space<semaphore_mem>>) src(%arg10 : memref<80x160xf32, #tpu.memory_space<vmem>>) dst(%dma_wait3A_137 : memref<80x160xf32, #tpu.memory_space<hbm>>)
        tpu.yield
      }) : () -> ()
    } else {
    }
    %add3A_77 = arith.constant 16 : i32
    %add3A_78 = arith.addi %arg1, %add3A_77 : i32
    %lt3A_79 = arith.constant 125 : i32
    %lt3A_80 = arith.cmpi slt, %add3A_78, %lt3A_79 : i32
    %convert_element_type3A_81 = arith.extui %lt3A_80 : i1 to i32
    %cond3A_82 = arith.constant 0 : i32
    %cond3A_83 = arith.cmpi ne, %convert_element_type3A_81, %cond3A_82 : i32
    scf.if %cond3A_83 {
      %mul3A_126 = arith.constant 80 : i32
      %mul3A_127 = arith.muli %add3A_78, %mul3A_126 : i32
      "tpu.region"() ({
        %run_scoped3A = tpu.sem_alloc : memref<!tpu.dma_semaphore, #tpu.memory_space<semaphore_mem>>
        %dma_start3A = arith.constant 0 : i32
        %dma_start3A_128 = tpu.memref_slice %arg13[%mul3A_127, %dma_start3A] : memref<10000x160xf32, #tpu.memory_space<vmem_shared>> -> memref<80x160xf32, #tpu.memory_space<vmem_shared>>
        %dma_start3A_129 = arith.constant 0 : i32
        %dma_start3A_130 = tpu.memref_slice %arg13[%mul3A_127, %dma_start3A_129] : memref<10000x160xf32, #tpu.memory_space<vmem_shared>> -> memref<80x160xf32, #tpu.memory_space<vmem_shared>>
        tpu.enqueue_dma source(%dma_start3A_130 : memref<80x160xf32, #tpu.memory_space<vmem_shared>>) target(%arg10 : memref<80x160xf32, #tpu.memory_space<vmem>>) target_semaphore(%run_scoped3A : memref<!tpu.dma_semaphore, #tpu.memory_space<semaphore_mem>>)
        %dma_wait3A = arith.constant 0 : i32
        %dma_wait3A_131 = tpu.memref_slice %arg13[%mul3A_127, %dma_wait3A] : memref<10000x160xf32, #tpu.memory_space<vmem_shared>> -> memref<80x160xf32, #tpu.memory_space<vmem_shared>>
        %dma_wait3A_132 = arith.constant 0 : i32
        %dma_wait3A_133 = tpu.memref_slice %arg13[%mul3A_127, %dma_wait3A_132] : memref<10000x160xf32, #tpu.memory_space<vmem_shared>> -> memref<80x160xf32, #tpu.memory_space<vmem_shared>>
        tpu.wait_dma2 semaphore(%run_scoped3A : memref<!tpu.dma_semaphore, #tpu.memory_space<semaphore_mem>>) src(%dma_wait3A_133 : memref<80x160xf32, #tpu.memory_space<vmem_shared>>) dst(%arg10 : memref<80x160xf32, #tpu.memory_space<vmem>>)
        tpu.yield
      }) : () -> ()
      "tpu.region"() ({
        %run_scoped3A = tpu.sem_alloc : memref<!tpu.dma_semaphore, #tpu.memory_space<semaphore_mem>>
        %dma_start3A = arith.constant 0 : i32
        %dma_start3A_128 = tpu.memref_slice %arg7[%arg0, %mul3A_127, %dma_start3A] : memref<2x10000x160xf32, #tpu.memory_space<hbm>> -> memref<1x80x160xf32, #tpu.memory_space<hbm>>
        %dma_start3A_129 = tpu.memref_squeeze %dma_start3A_128 : memref<1x80x160xf32, #tpu.memory_space<hbm>> -> memref<80x160xf32, #tpu.memory_space<hbm>>
        %dma_start3A_130 = arith.constant 0 : i32
        %dma_start3A_131 = tpu.memref_slice %arg7[%arg0, %mul3A_127, %dma_start3A_130] : memref<2x10000x160xf32, #tpu.memory_space<hbm>> -> memref<1x80x160xf32, #tpu.memory_space<hbm>>
        %dma_start3A_132 = tpu.memref_squeeze %dma_start3A_131 : memref<1x80x160xf32, #tpu.memory_space<hbm>> -> memref<80x160xf32, #tpu.memory_space<hbm>>
        tpu.enqueue_dma source(%arg10 : memref<80x160xf32, #tpu.memory_space<vmem>>) target(%dma_start3A_132 : memref<80x160xf32, #tpu.memory_space<hbm>>) target_semaphore(%run_scoped3A : memref<!tpu.dma_semaphore, #tpu.memory_space<semaphore_mem>>)
        %dma_wait3A = arith.constant 0 : i32
        %dma_wait3A_133 = tpu.memref_slice %arg7[%arg0, %mul3A_127, %dma_wait3A] : memref<2x10000x160xf32, #tpu.memory_space<hbm>> -> memref<1x80x160xf32, #tpu.memory_space<hbm>>
        %dma_wait3A_134 = tpu.memref_squeeze %dma_wait3A_133 : memref<1x80x160xf32, #tpu.memory_space<hbm>> -> memref<80x160xf32, #tpu.memory_space<hbm>>
        %dma_wait3A_135 = arith.constant 0 : i32
        %dma_wait3A_136 = tpu.memref_slice %arg7[%arg0, %mul3A_127, %dma_wait3A_135] : memref<2x10000x160xf32, #tpu.memory_space<hbm>> -> memref<1x80x160xf32, #tpu.memory_space<hbm>>
        %dma_wait3A_137 = tpu.memref_squeeze %dma_wait3A_136 : memref<1x80x160xf32, #tpu.memory_space<hbm>> -> memref<80x160xf32, #tpu.memory_space<hbm>>
        tpu.wait_dma2 semaphore(%run_scoped3A : memref<!tpu.dma_semaphore, #tpu.memory_space<semaphore_mem>>) src(%arg10 : memref<80x160xf32, #tpu.memory_space<vmem>>) dst(%dma_wait3A_137 : memref<80x160xf32, #tpu.memory_space<hbm>>)
        tpu.yield
      }) : () -> ()
    } else {
    }
    %add3A_84 = arith.constant 32 : i32
    %add3A_85 = arith.addi %arg1, %add3A_84 : i32
    %lt3A_86 = arith.constant 125 : i32
    %lt3A_87 = arith.cmpi slt, %add3A_85, %lt3A_86 : i32
    %convert_element_type3A_88 = arith.extui %lt3A_87 : i1 to i32
    %cond3A_89 = arith.constant 0 : i32
    %cond3A_90 = arith.cmpi ne, %convert_element_type3A_88, %cond3A_89 : i32
    scf.if %cond3A_90 {
      %mul3A_126 = arith.constant 80 : i32
      %mul3A_127 = arith.muli %add3A_85, %mul3A_126 : i32
      "tpu.region"() ({
        %run_scoped3A = tpu.sem_alloc : memref<!tpu.dma_semaphore, #tpu.memory_space<semaphore_mem>>
        %dma_start3A = arith.constant 0 : i32
        %dma_start3A_128 = tpu.memref_slice %arg13[%mul3A_127, %dma_start3A] : memref<10000x160xf32, #tpu.memory_space<vmem_shared>> -> memref<80x160xf32, #tpu.memory_space<vmem_shared>>
        %dma_start3A_129 = arith.constant 0 : i32
        %dma_start3A_130 = tpu.memref_slice %arg13[%mul3A_127, %dma_start3A_129] : memref<10000x160xf32, #tpu.memory_space<vmem_shared>> -> memref<80x160xf32, #tpu.memory_space<vmem_shared>>
        tpu.enqueue_dma source(%dma_start3A_130 : memref<80x160xf32, #tpu.memory_space<vmem_shared>>) target(%arg10 : memref<80x160xf32, #tpu.memory_space<vmem>>) target_semaphore(%run_scoped3A : memref<!tpu.dma_semaphore, #tpu.memory_space<semaphore_mem>>)
        %dma_wait3A = arith.constant 0 : i32
        %dma_wait3A_131 = tpu.memref_slice %arg13[%mul3A_127, %dma_wait3A] : memref<10000x160xf32, #tpu.memory_space<vmem_shared>> -> memref<80x160xf32, #tpu.memory_space<vmem_shared>>
        %dma_wait3A_132 = arith.constant 0 : i32
        %dma_wait3A_133 = tpu.memref_slice %arg13[%mul3A_127, %dma_wait3A_132] : memref<10000x160xf32, #tpu.memory_space<vmem_shared>> -> memref<80x160xf32, #tpu.memory_space<vmem_shared>>
        tpu.wait_dma2 semaphore(%run_scoped3A : memref<!tpu.dma_semaphore, #tpu.memory_space<semaphore_mem>>) src(%dma_wait3A_133 : memref<80x160xf32, #tpu.memory_space<vmem_shared>>) dst(%arg10 : memref<80x160xf32, #tpu.memory_space<vmem>>)
        tpu.yield
      }) : () -> ()
      "tpu.region"() ({
        %run_scoped3A = tpu.sem_alloc : memref<!tpu.dma_semaphore, #tpu.memory_space<semaphore_mem>>
        %dma_start3A = arith.constant 0 : i32
        %dma_start3A_128 = tpu.memref_slice %arg7[%arg0, %mul3A_127, %dma_start3A] : memref<2x10000x160xf32, #tpu.memory_space<hbm>> -> memref<1x80x160xf32, #tpu.memory_space<hbm>>
        %dma_start3A_129 = tpu.memref_squeeze %dma_start3A_128 : memref<1x80x160xf32, #tpu.memory_space<hbm>> -> memref<80x160xf32, #tpu.memory_space<hbm>>
        %dma_start3A_130 = arith.constant 0 : i32
        %dma_start3A_131 = tpu.memref_slice %arg7[%arg0, %mul3A_127, %dma_start3A_130] : memref<2x10000x160xf32, #tpu.memory_space<hbm>> -> memref<1x80x160xf32, #tpu.memory_space<hbm>>
        %dma_start3A_132 = tpu.memref_squeeze %dma_start3A_131 : memref<1x80x160xf32, #tpu.memory_space<hbm>> -> memref<80x160xf32, #tpu.memory_space<hbm>>
        tpu.enqueue_dma source(%arg10 : memref<80x160xf32, #tpu.memory_space<vmem>>) target(%dma_start3A_132 : memref<80x160xf32, #tpu.memory_space<hbm>>) target_semaphore(%run_scoped3A : memref<!tpu.dma_semaphore, #tpu.memory_space<semaphore_mem>>)
        %dma_wait3A = arith.constant 0 : i32
        %dma_wait3A_133 = tpu.memref_slice %arg7[%arg0, %mul3A_127, %dma_wait3A] : memref<2x10000x160xf32, #tpu.memory_space<hbm>> -> memref<1x80x160xf32, #tpu.memory_space<hbm>>
        %dma_wait3A_134 = tpu.memref_squeeze %dma_wait3A_133 : memref<1x80x160xf32, #tpu.memory_space<hbm>> -> memref<80x160xf32, #tpu.memory_space<hbm>>
        %dma_wait3A_135 = arith.constant 0 : i32
        %dma_wait3A_136 = tpu.memref_slice %arg7[%arg0, %mul3A_127, %dma_wait3A_135] : memref<2x10000x160xf32, #tpu.memory_space<hbm>> -> memref<1x80x160xf32, #tpu.memory_space<hbm>>
        %dma_wait3A_137 = tpu.memref_squeeze %dma_wait3A_136 : memref<1x80x160xf32, #tpu.memory_space<hbm>> -> memref<80x160xf32, #tpu.memory_space<hbm>>
        tpu.wait_dma2 semaphore(%run_scoped3A : memref<!tpu.dma_semaphore, #tpu.memory_space<semaphore_mem>>) src(%arg10 : memref<80x160xf32, #tpu.memory_space<vmem>>) dst(%dma_wait3A_137 : memref<80x160xf32, #tpu.memory_space<hbm>>)
        tpu.yield
      }) : () -> ()
    } else {
    }
    %add3A_91 = arith.constant 48 : i32
    %add3A_92 = arith.addi %arg1, %add3A_91 : i32
    %lt3A_93 = arith.constant 125 : i32
    %lt3A_94 = arith.cmpi slt, %add3A_92, %lt3A_93 : i32
    %convert_element_type3A_95 = arith.extui %lt3A_94 : i1 to i32
    %cond3A_96 = arith.constant 0 : i32
    %cond3A_97 = arith.cmpi ne, %convert_element_type3A_95, %cond3A_96 : i32
    scf.if %cond3A_97 {
      %mul3A_126 = arith.constant 80 : i32
      %mul3A_127 = arith.muli %add3A_92, %mul3A_126 : i32
      "tpu.region"() ({
        %run_scoped3A = tpu.sem_alloc : memref<!tpu.dma_semaphore, #tpu.memory_space<semaphore_mem>>
        %dma_start3A = arith.constant 0 : i32
        %dma_start3A_128 = tpu.memref_slice %arg13[%mul3A_127, %dma_start3A] : memref<10000x160xf32, #tpu.memory_space<vmem_shared>> -> memref<80x160xf32, #tpu.memory_space<vmem_shared>>
        %dma_start3A_129 = arith.constant 0 : i32
        %dma_start3A_130 = tpu.memref_slice %arg13[%mul3A_127, %dma_start3A_129] : memref<10000x160xf32, #tpu.memory_space<vmem_shared>> -> memref<80x160xf32, #tpu.memory_space<vmem_shared>>
        tpu.enqueue_dma source(%dma_start3A_130 : memref<80x160xf32, #tpu.memory_space<vmem_shared>>) target(%arg10 : memref<80x160xf32, #tpu.memory_space<vmem>>) target_semaphore(%run_scoped3A : memref<!tpu.dma_semaphore, #tpu.memory_space<semaphore_mem>>)
        %dma_wait3A = arith.constant 0 : i32
        %dma_wait3A_131 = tpu.memref_slice %arg13[%mul3A_127, %dma_wait3A] : memref<10000x160xf32, #tpu.memory_space<vmem_shared>> -> memref<80x160xf32, #tpu.memory_space<vmem_shared>>
        %dma_wait3A_132 = arith.constant 0 : i32
        %dma_wait3A_133 = tpu.memref_slice %arg13[%mul3A_127, %dma_wait3A_132] : memref<10000x160xf32, #tpu.memory_space<vmem_shared>> -> memref<80x160xf32, #tpu.memory_space<vmem_shared>>
        tpu.wait_dma2 semaphore(%run_scoped3A : memref<!tpu.dma_semaphore, #tpu.memory_space<semaphore_mem>>) src(%dma_wait3A_133 : memref<80x160xf32, #tpu.memory_space<vmem_shared>>) dst(%arg10 : memref<80x160xf32, #tpu.memory_space<vmem>>)
        tpu.yield
      }) : () -> ()
      "tpu.region"() ({
        %run_scoped3A = tpu.sem_alloc : memref<!tpu.dma_semaphore, #tpu.memory_space<semaphore_mem>>
        %dma_start3A = arith.constant 0 : i32
        %dma_start3A_128 = tpu.memref_slice %arg7[%arg0, %mul3A_127, %dma_start3A] : memref<2x10000x160xf32, #tpu.memory_space<hbm>> -> memref<1x80x160xf32, #tpu.memory_space<hbm>>
        %dma_start3A_129 = tpu.memref_squeeze %dma_start3A_128 : memref<1x80x160xf32, #tpu.memory_space<hbm>> -> memref<80x160xf32, #tpu.memory_space<hbm>>
        %dma_start3A_130 = arith.constant 0 : i32
        %dma_start3A_131 = tpu.memref_slice %arg7[%arg0, %mul3A_127, %dma_start3A_130] : memref<2x10000x160xf32, #tpu.memory_space<hbm>> -> memref<1x80x160xf32, #tpu.memory_space<hbm>>
        %dma_start3A_132 = tpu.memref_squeeze %dma_start3A_131 : memref<1x80x160xf32, #tpu.memory_space<hbm>> -> memref<80x160xf32, #tpu.memory_space<hbm>>
        tpu.enqueue_dma source(%arg10 : memref<80x160xf32, #tpu.memory_space<vmem>>) target(%dma_start3A_132 : memref<80x160xf32, #tpu.memory_space<hbm>>) target_semaphore(%run_scoped3A : memref<!tpu.dma_semaphore, #tpu.memory_space<semaphore_mem>>)
        %dma_wait3A = arith.constant 0 : i32
        %dma_wait3A_133 = tpu.memref_slice %arg7[%arg0, %mul3A_127, %dma_wait3A] : memref<2x10000x160xf32, #tpu.memory_space<hbm>> -> memref<1x80x160xf32, #tpu.memory_space<hbm>>
        %dma_wait3A_134 = tpu.memref_squeeze %dma_wait3A_133 : memref<1x80x160xf32, #tpu.memory_space<hbm>> -> memref<80x160xf32, #tpu.memory_space<hbm>>
        %dma_wait3A_135 = arith.constant 0 : i32
        %dma_wait3A_136 = tpu.memref_slice %arg7[%arg0, %mul3A_127, %dma_wait3A_135] : memref<2x10000x160xf32, #tpu.memory_space<hbm>> -> memref<1x80x160xf32, #tpu.memory_space<hbm>>
        %dma_wait3A_137 = tpu.memref_squeeze %dma_wait3A_136 : memref<1x80x160xf32, #tpu.memory_space<hbm>> -> memref<80x160xf32, #tpu.memory_space<hbm>>
        tpu.wait_dma2 semaphore(%run_scoped3A : memref<!tpu.dma_semaphore, #tpu.memory_space<semaphore_mem>>) src(%arg10 : memref<80x160xf32, #tpu.memory_space<vmem>>) dst(%dma_wait3A_137 : memref<80x160xf32, #tpu.memory_space<hbm>>)
        tpu.yield
      }) : () -> ()
    } else {
    }
    %add3A_98 = arith.constant 64 : i32
    %add3A_99 = arith.addi %arg1, %add3A_98 : i32
    %lt3A_100 = arith.constant 125 : i32
    %lt3A_101 = arith.cmpi slt, %add3A_99, %lt3A_100 : i32
    %convert_element_type3A_102 = arith.extui %lt3A_101 : i1 to i32
    %cond3A_103 = arith.constant 0 : i32
    %cond3A_104 = arith.cmpi ne, %convert_element_type3A_102, %cond3A_103 : i32
    scf.if %cond3A_104 {
      %mul3A_126 = arith.constant 80 : i32
      %mul3A_127 = arith.muli %add3A_99, %mul3A_126 : i32
      "tpu.region"() ({
        %run_scoped3A = tpu.sem_alloc : memref<!tpu.dma_semaphore, #tpu.memory_space<semaphore_mem>>
        %dma_start3A = arith.constant 0 : i32
        %dma_start3A_128 = tpu.memref_slice %arg13[%mul3A_127, %dma_start3A] : memref<10000x160xf32, #tpu.memory_space<vmem_shared>> -> memref<80x160xf32, #tpu.memory_space<vmem_shared>>
        %dma_start3A_129 = arith.constant 0 : i32
        %dma_start3A_130 = tpu.memref_slice %arg13[%mul3A_127, %dma_start3A_129] : memref<10000x160xf32, #tpu.memory_space<vmem_shared>> -> memref<80x160xf32, #tpu.memory_space<vmem_shared>>
        tpu.enqueue_dma source(%dma_start3A_130 : memref<80x160xf32, #tpu.memory_space<vmem_shared>>) target(%arg10 : memref<80x160xf32, #tpu.memory_space<vmem>>) target_semaphore(%run_scoped3A : memref<!tpu.dma_semaphore, #tpu.memory_space<semaphore_mem>>)
        %dma_wait3A = arith.constant 0 : i32
        %dma_wait3A_131 = tpu.memref_slice %arg13[%mul3A_127, %dma_wait3A] : memref<10000x160xf32, #tpu.memory_space<vmem_shared>> -> memref<80x160xf32, #tpu.memory_space<vmem_shared>>
        %dma_wait3A_132 = arith.constant 0 : i32
        %dma_wait3A_133 = tpu.memref_slice %arg13[%mul3A_127, %dma_wait3A_132] : memref<10000x160xf32, #tpu.memory_space<vmem_shared>> -> memref<80x160xf32, #tpu.memory_space<vmem_shared>>
        tpu.wait_dma2 semaphore(%run_scoped3A : memref<!tpu.dma_semaphore, #tpu.memory_space<semaphore_mem>>) src(%dma_wait3A_133 : memref<80x160xf32, #tpu.memory_space<vmem_shared>>) dst(%arg10 : memref<80x160xf32, #tpu.memory_space<vmem>>)
        tpu.yield
      }) : () -> ()
      "tpu.region"() ({
        %run_scoped3A = tpu.sem_alloc : memref<!tpu.dma_semaphore, #tpu.memory_space<semaphore_mem>>
        %dma_start3A = arith.constant 0 : i32
        %dma_start3A_128 = tpu.memref_slice %arg7[%arg0, %mul3A_127, %dma_start3A] : memref<2x10000x160xf32, #tpu.memory_space<hbm>> -> memref<1x80x160xf32, #tpu.memory_space<hbm>>
        %dma_start3A_129 = tpu.memref_squeeze %dma_start3A_128 : memref<1x80x160xf32, #tpu.memory_space<hbm>> -> memref<80x160xf32, #tpu.memory_space<hbm>>
        %dma_start3A_130 = arith.constant 0 : i32
        %dma_start3A_131 = tpu.memref_slice %arg7[%arg0, %mul3A_127, %dma_start3A_130] : memref<2x10000x160xf32, #tpu.memory_space<hbm>> -> memref<1x80x160xf32, #tpu.memory_space<hbm>>
        %dma_start3A_132 = tpu.memref_squeeze %dma_start3A_131 : memref<1x80x160xf32, #tpu.memory_space<hbm>> -> memref<80x160xf32, #tpu.memory_space<hbm>>
        tpu.enqueue_dma source(%arg10 : memref<80x160xf32, #tpu.memory_space<vmem>>) target(%dma_start3A_132 : memref<80x160xf32, #tpu.memory_space<hbm>>) target_semaphore(%run_scoped3A : memref<!tpu.dma_semaphore, #tpu.memory_space<semaphore_mem>>)
        %dma_wait3A = arith.constant 0 : i32
        %dma_wait3A_133 = tpu.memref_slice %arg7[%arg0, %mul3A_127, %dma_wait3A] : memref<2x10000x160xf32, #tpu.memory_space<hbm>> -> memref<1x80x160xf32, #tpu.memory_space<hbm>>
        %dma_wait3A_134 = tpu.memref_squeeze %dma_wait3A_133 : memref<1x80x160xf32, #tpu.memory_space<hbm>> -> memref<80x160xf32, #tpu.memory_space<hbm>>
        %dma_wait3A_135 = arith.constant 0 : i32
        %dma_wait3A_136 = tpu.memref_slice %arg7[%arg0, %mul3A_127, %dma_wait3A_135] : memref<2x10000x160xf32, #tpu.memory_space<hbm>> -> memref<1x80x160xf32, #tpu.memory_space<hbm>>
        %dma_wait3A_137 = tpu.memref_squeeze %dma_wait3A_136 : memref<1x80x160xf32, #tpu.memory_space<hbm>> -> memref<80x160xf32, #tpu.memory_space<hbm>>
        tpu.wait_dma2 semaphore(%run_scoped3A : memref<!tpu.dma_semaphore, #tpu.memory_space<semaphore_mem>>) src(%arg10 : memref<80x160xf32, #tpu.memory_space<vmem>>) dst(%dma_wait3A_137 : memref<80x160xf32, #tpu.memory_space<hbm>>)
        tpu.yield
      }) : () -> ()
    } else {
    }
    %add3A_105 = arith.constant 80 : i32
    %add3A_106 = arith.addi %arg1, %add3A_105 : i32
    %lt3A_107 = arith.constant 125 : i32
    %lt3A_108 = arith.cmpi slt, %add3A_106, %lt3A_107 : i32
    %convert_element_type3A_109 = arith.extui %lt3A_108 : i1 to i32
    %cond3A_110 = arith.constant 0 : i32
    %cond3A_111 = arith.cmpi ne, %convert_element_type3A_109, %cond3A_110 : i32
    scf.if %cond3A_111 {
      %mul3A_126 = arith.constant 80 : i32
      %mul3A_127 = arith.muli %add3A_106, %mul3A_126 : i32
      "tpu.region"() ({
        %run_scoped3A = tpu.sem_alloc : memref<!tpu.dma_semaphore, #tpu.memory_space<semaphore_mem>>
        %dma_start3A = arith.constant 0 : i32
        %dma_start3A_128 = tpu.memref_slice %arg13[%mul3A_127, %dma_start3A] : memref<10000x160xf32, #tpu.memory_space<vmem_shared>> -> memref<80x160xf32, #tpu.memory_space<vmem_shared>>
        %dma_start3A_129 = arith.constant 0 : i32
        %dma_start3A_130 = tpu.memref_slice %arg13[%mul3A_127, %dma_start3A_129] : memref<10000x160xf32, #tpu.memory_space<vmem_shared>> -> memref<80x160xf32, #tpu.memory_space<vmem_shared>>
        tpu.enqueue_dma source(%dma_start3A_130 : memref<80x160xf32, #tpu.memory_space<vmem_shared>>) target(%arg10 : memref<80x160xf32, #tpu.memory_space<vmem>>) target_semaphore(%run_scoped3A : memref<!tpu.dma_semaphore, #tpu.memory_space<semaphore_mem>>)
        %dma_wait3A = arith.constant 0 : i32
        %dma_wait3A_131 = tpu.memref_slice %arg13[%mul3A_127, %dma_wait3A] : memref<10000x160xf32, #tpu.memory_space<vmem_shared>> -> memref<80x160xf32, #tpu.memory_space<vmem_shared>>
        %dma_wait3A_132 = arith.constant 0 : i32
        %dma_wait3A_133 = tpu.memref_slice %arg13[%mul3A_127, %dma_wait3A_132] : memref<10000x160xf32, #tpu.memory_space<vmem_shared>> -> memref<80x160xf32, #tpu.memory_space<vmem_shared>>
        tpu.wait_dma2 semaphore(%run_scoped3A : memref<!tpu.dma_semaphore, #tpu.memory_space<semaphore_mem>>) src(%dma_wait3A_133 : memref<80x160xf32, #tpu.memory_space<vmem_shared>>) dst(%arg10 : memref<80x160xf32, #tpu.memory_space<vmem>>)
        tpu.yield
      }) : () -> ()
      "tpu.region"() ({
        %run_scoped3A = tpu.sem_alloc : memref<!tpu.dma_semaphore, #tpu.memory_space<semaphore_mem>>
        %dma_start3A = arith.constant 0 : i32
        %dma_start3A_128 = tpu.memref_slice %arg7[%arg0, %mul3A_127, %dma_start3A] : memref<2x10000x160xf32, #tpu.memory_space<hbm>> -> memref<1x80x160xf32, #tpu.memory_space<hbm>>
        %dma_start3A_129 = tpu.memref_squeeze %dma_start3A_128 : memref<1x80x160xf32, #tpu.memory_space<hbm>> -> memref<80x160xf32, #tpu.memory_space<hbm>>
        %dma_start3A_130 = arith.constant 0 : i32
        %dma_start3A_131 = tpu.memref_slice %arg7[%arg0, %mul3A_127, %dma_start3A_130] : memref<2x10000x160xf32, #tpu.memory_space<hbm>> -> memref<1x80x160xf32, #tpu.memory_space<hbm>>
        %dma_start3A_132 = tpu.memref_squeeze %dma_start3A_131 : memref<1x80x160xf32, #tpu.memory_space<hbm>> -> memref<80x160xf32, #tpu.memory_space<hbm>>
        tpu.enqueue_dma source(%arg10 : memref<80x160xf32, #tpu.memory_space<vmem>>) target(%dma_start3A_132 : memref<80x160xf32, #tpu.memory_space<hbm>>) target_semaphore(%run_scoped3A : memref<!tpu.dma_semaphore, #tpu.memory_space<semaphore_mem>>)
        %dma_wait3A = arith.constant 0 : i32
        %dma_wait3A_133 = tpu.memref_slice %arg7[%arg0, %mul3A_127, %dma_wait3A] : memref<2x10000x160xf32, #tpu.memory_space<hbm>> -> memref<1x80x160xf32, #tpu.memory_space<hbm>>
        %dma_wait3A_134 = tpu.memref_squeeze %dma_wait3A_133 : memref<1x80x160xf32, #tpu.memory_space<hbm>> -> memref<80x160xf32, #tpu.memory_space<hbm>>
        %dma_wait3A_135 = arith.constant 0 : i32
        %dma_wait3A_136 = tpu.memref_slice %arg7[%arg0, %mul3A_127, %dma_wait3A_135] : memref<2x10000x160xf32, #tpu.memory_space<hbm>> -> memref<1x80x160xf32, #tpu.memory_space<hbm>>
        %dma_wait3A_137 = tpu.memref_squeeze %dma_wait3A_136 : memref<1x80x160xf32, #tpu.memory_space<hbm>> -> memref<80x160xf32, #tpu.memory_space<hbm>>
        tpu.wait_dma2 semaphore(%run_scoped3A : memref<!tpu.dma_semaphore, #tpu.memory_space<semaphore_mem>>) src(%arg10 : memref<80x160xf32, #tpu.memory_space<vmem>>) dst(%dma_wait3A_137 : memref<80x160xf32, #tpu.memory_space<hbm>>)
        tpu.yield
      }) : () -> ()
    } else {
    }
    %add3A_112 = arith.constant 96 : i32
    %add3A_113 = arith.addi %arg1, %add3A_112 : i32
    %lt3A_114 = arith.constant 125 : i32
    %lt3A_115 = arith.cmpi slt, %add3A_113, %lt3A_114 : i32
    %convert_element_type3A_116 = arith.extui %lt3A_115 : i1 to i32
    %cond3A_117 = arith.constant 0 : i32
    %cond3A_118 = arith.cmpi ne, %convert_element_type3A_116, %cond3A_117 : i32
    scf.if %cond3A_118 {
      %mul3A_126 = arith.constant 80 : i32
      %mul3A_127 = arith.muli %add3A_113, %mul3A_126 : i32
      "tpu.region"() ({
        %run_scoped3A = tpu.sem_alloc : memref<!tpu.dma_semaphore, #tpu.memory_space<semaphore_mem>>
        %dma_start3A = arith.constant 0 : i32
        %dma_start3A_128 = tpu.memref_slice %arg13[%mul3A_127, %dma_start3A] : memref<10000x160xf32, #tpu.memory_space<vmem_shared>> -> memref<80x160xf32, #tpu.memory_space<vmem_shared>>
        %dma_start3A_129 = arith.constant 0 : i32
        %dma_start3A_130 = tpu.memref_slice %arg13[%mul3A_127, %dma_start3A_129] : memref<10000x160xf32, #tpu.memory_space<vmem_shared>> -> memref<80x160xf32, #tpu.memory_space<vmem_shared>>
        tpu.enqueue_dma source(%dma_start3A_130 : memref<80x160xf32, #tpu.memory_space<vmem_shared>>) target(%arg10 : memref<80x160xf32, #tpu.memory_space<vmem>>) target_semaphore(%run_scoped3A : memref<!tpu.dma_semaphore, #tpu.memory_space<semaphore_mem>>)
        %dma_wait3A = arith.constant 0 : i32
        %dma_wait3A_131 = tpu.memref_slice %arg13[%mul3A_127, %dma_wait3A] : memref<10000x160xf32, #tpu.memory_space<vmem_shared>> -> memref<80x160xf32, #tpu.memory_space<vmem_shared>>
        %dma_wait3A_132 = arith.constant 0 : i32
        %dma_wait3A_133 = tpu.memref_slice %arg13[%mul3A_127, %dma_wait3A_132] : memref<10000x160xf32, #tpu.memory_space<vmem_shared>> -> memref<80x160xf32, #tpu.memory_space<vmem_shared>>
        tpu.wait_dma2 semaphore(%run_scoped3A : memref<!tpu.dma_semaphore, #tpu.memory_space<semaphore_mem>>) src(%dma_wait3A_133 : memref<80x160xf32, #tpu.memory_space<vmem_shared>>) dst(%arg10 : memref<80x160xf32, #tpu.memory_space<vmem>>)
        tpu.yield
      }) : () -> ()
      "tpu.region"() ({
        %run_scoped3A = tpu.sem_alloc : memref<!tpu.dma_semaphore, #tpu.memory_space<semaphore_mem>>
        %dma_start3A = arith.constant 0 : i32
        %dma_start3A_128 = tpu.memref_slice %arg7[%arg0, %mul3A_127, %dma_start3A] : memref<2x10000x160xf32, #tpu.memory_space<hbm>> -> memref<1x80x160xf32, #tpu.memory_space<hbm>>
        %dma_start3A_129 = tpu.memref_squeeze %dma_start3A_128 : memref<1x80x160xf32, #tpu.memory_space<hbm>> -> memref<80x160xf32, #tpu.memory_space<hbm>>
        %dma_start3A_130 = arith.constant 0 : i32
        %dma_start3A_131 = tpu.memref_slice %arg7[%arg0, %mul3A_127, %dma_start3A_130] : memref<2x10000x160xf32, #tpu.memory_space<hbm>> -> memref<1x80x160xf32, #tpu.memory_space<hbm>>
        %dma_start3A_132 = tpu.memref_squeeze %dma_start3A_131 : memref<1x80x160xf32, #tpu.memory_space<hbm>> -> memref<80x160xf32, #tpu.memory_space<hbm>>
        tpu.enqueue_dma source(%arg10 : memref<80x160xf32, #tpu.memory_space<vmem>>) target(%dma_start3A_132 : memref<80x160xf32, #tpu.memory_space<hbm>>) target_semaphore(%run_scoped3A : memref<!tpu.dma_semaphore, #tpu.memory_space<semaphore_mem>>)
        %dma_wait3A = arith.constant 0 : i32
        %dma_wait3A_133 = tpu.memref_slice %arg7[%arg0, %mul3A_127, %dma_wait3A] : memref<2x10000x160xf32, #tpu.memory_space<hbm>> -> memref<1x80x160xf32, #tpu.memory_space<hbm>>
        %dma_wait3A_134 = tpu.memref_squeeze %dma_wait3A_133 : memref<1x80x160xf32, #tpu.memory_space<hbm>> -> memref<80x160xf32, #tpu.memory_space<hbm>>
        %dma_wait3A_135 = arith.constant 0 : i32
        %dma_wait3A_136 = tpu.memref_slice %arg7[%arg0, %mul3A_127, %dma_wait3A_135] : memref<2x10000x160xf32, #tpu.memory_space<hbm>> -> memref<1x80x160xf32, #tpu.memory_space<hbm>>
        %dma_wait3A_137 = tpu.memref_squeeze %dma_wait3A_136 : memref<1x80x160xf32, #tpu.memory_space<hbm>> -> memref<80x160xf32, #tpu.memory_space<hbm>>
        tpu.wait_dma2 semaphore(%run_scoped3A : memref<!tpu.dma_semaphore, #tpu.memory_space<semaphore_mem>>) src(%arg10 : memref<80x160xf32, #tpu.memory_space<vmem>>) dst(%dma_wait3A_137 : memref<80x160xf32, #tpu.memory_space<hbm>>)
        tpu.yield
      }) : () -> ()
    } else {
    }
    %add3A_119 = arith.constant 112 : i32
    %add3A_120 = arith.addi %arg1, %add3A_119 : i32
    %lt3A_121 = arith.constant 125 : i32
    %lt3A_122 = arith.cmpi slt, %add3A_120, %lt3A_121 : i32
    %convert_element_type3A_123 = arith.extui %lt3A_122 : i1 to i32
    %cond3A_124 = arith.constant 0 : i32
    %cond3A_125 = arith.cmpi ne, %convert_element_type3A_123, %cond3A_124 : i32
    scf.if %cond3A_125 {
      %mul3A_126 = arith.constant 80 : i32
      %mul3A_127 = arith.muli %add3A_120, %mul3A_126 : i32
      "tpu.region"() ({
        %run_scoped3A = tpu.sem_alloc : memref<!tpu.dma_semaphore, #tpu.memory_space<semaphore_mem>>
        %dma_start3A = arith.constant 0 : i32
        %dma_start3A_128 = tpu.memref_slice %arg13[%mul3A_127, %dma_start3A] : memref<10000x160xf32, #tpu.memory_space<vmem_shared>> -> memref<80x160xf32, #tpu.memory_space<vmem_shared>>
        %dma_start3A_129 = arith.constant 0 : i32
        %dma_start3A_130 = tpu.memref_slice %arg13[%mul3A_127, %dma_start3A_129] : memref<10000x160xf32, #tpu.memory_space<vmem_shared>> -> memref<80x160xf32, #tpu.memory_space<vmem_shared>>
        tpu.enqueue_dma source(%dma_start3A_130 : memref<80x160xf32, #tpu.memory_space<vmem_shared>>) target(%arg10 : memref<80x160xf32, #tpu.memory_space<vmem>>) target_semaphore(%run_scoped3A : memref<!tpu.dma_semaphore, #tpu.memory_space<semaphore_mem>>)
        %dma_wait3A = arith.constant 0 : i32
        %dma_wait3A_131 = tpu.memref_slice %arg13[%mul3A_127, %dma_wait3A] : memref<10000x160xf32, #tpu.memory_space<vmem_shared>> -> memref<80x160xf32, #tpu.memory_space<vmem_shared>>
        %dma_wait3A_132 = arith.constant 0 : i32
        %dma_wait3A_133 = tpu.memref_slice %arg13[%mul3A_127, %dma_wait3A_132] : memref<10000x160xf32, #tpu.memory_space<vmem_shared>> -> memref<80x160xf32, #tpu.memory_space<vmem_shared>>
        tpu.wait_dma2 semaphore(%run_scoped3A : memref<!tpu.dma_semaphore, #tpu.memory_space<semaphore_mem>>) src(%dma_wait3A_133 : memref<80x160xf32, #tpu.memory_space<vmem_shared>>) dst(%arg10 : memref<80x160xf32, #tpu.memory_space<vmem>>)
        tpu.yield
      }) : () -> ()
      "tpu.region"() ({
        %run_scoped3A = tpu.sem_alloc : memref<!tpu.dma_semaphore, #tpu.memory_space<semaphore_mem>>
        %dma_start3A = arith.constant 0 : i32
        %dma_start3A_128 = tpu.memref_slice %arg7[%arg0, %mul3A_127, %dma_start3A] : memref<2x10000x160xf32, #tpu.memory_space<hbm>> -> memref<1x80x160xf32, #tpu.memory_space<hbm>>
        %dma_start3A_129 = tpu.memref_squeeze %dma_start3A_128 : memref<1x80x160xf32, #tpu.memory_space<hbm>> -> memref<80x160xf32, #tpu.memory_space<hbm>>
        %dma_start3A_130 = arith.constant 0 : i32
        %dma_start3A_131 = tpu.memref_slice %arg7[%arg0, %mul3A_127, %dma_start3A_130] : memref<2x10000x160xf32, #tpu.memory_space<hbm>> -> memref<1x80x160xf32, #tpu.memory_space<hbm>>
        %dma_start3A_132 = tpu.memref_squeeze %dma_start3A_131 : memref<1x80x160xf32, #tpu.memory_space<hbm>> -> memref<80x160xf32, #tpu.memory_space<hbm>>
        tpu.enqueue_dma source(%arg10 : memref<80x160xf32, #tpu.memory_space<vmem>>) target(%dma_start3A_132 : memref<80x160xf32, #tpu.memory_space<hbm>>) target_semaphore(%run_scoped3A : memref<!tpu.dma_semaphore, #tpu.memory_space<semaphore_mem>>)
        %dma_wait3A = arith.constant 0 : i32
        %dma_wait3A_133 = tpu.memref_slice %arg7[%arg0, %mul3A_127, %dma_wait3A] : memref<2x10000x160xf32, #tpu.memory_space<hbm>> -> memref<1x80x160xf32, #tpu.memory_space<hbm>>
        %dma_wait3A_134 = tpu.memref_squeeze %dma_wait3A_133 : memref<1x80x160xf32, #tpu.memory_space<hbm>> -> memref<80x160xf32, #tpu.memory_space<hbm>>
        %dma_wait3A_135 = arith.constant 0 : i32
        %dma_wait3A_136 = tpu.memref_slice %arg7[%arg0, %mul3A_127, %dma_wait3A_135] : memref<2x10000x160xf32, #tpu.memory_space<hbm>> -> memref<1x80x160xf32, #tpu.memory_space<hbm>>
        %dma_wait3A_137 = tpu.memref_squeeze %dma_wait3A_136 : memref<1x80x160xf32, #tpu.memory_space<hbm>> -> memref<80x160xf32, #tpu.memory_space<hbm>>
        tpu.wait_dma2 semaphore(%run_scoped3A : memref<!tpu.dma_semaphore, #tpu.memory_space<semaphore_mem>>) src(%arg10 : memref<80x160xf32, #tpu.memory_space<vmem>>) dst(%dma_wait3A_137 : memref<80x160xf32, #tpu.memory_space<hbm>>)
        tpu.yield
      }) : () -> ()
    } else {
    }
    return
  }
}

#map = affine_map<(d0, d1) -> (0, 0)>
#map1 = affine_map<(d0, d1) -> (0)>
module attributes {stable_mosaic.version = 14 : i64} {
  func.func @_sc_ugather(%arg0: i32, %arg1: i32, %arg2: memref<1024x128xf32, #tpu.memory_space<hbm>>, %arg3: memref<10000xi32, #tpu.memory_space<hbm>>, %arg4: memref<10000x128xf32, #tpu.memory_space<hbm>>, %arg5: memref<80xi32, #tpu.memory_space<vmem>>, %arg6: memref<80x128xf32, #tpu.memory_space<vmem>>, %arg7: memref<!tpu.dma_semaphore, #tpu.memory_space<semaphore_mem>>) attributes {dimension_semantics = [#tpu.dimension_semantics<core_parallel>, #tpu.dimension_semantics<subcore_parallel>], iteration_bounds = array<i64: 2, 16>, scalar_prefetch = 0 : i64, scratch_operands = 3 : i64, tpu.core_type = #tpu.core_type<sc_vector_subcore>, window_params = [{transform_indices = #map}, {transform_indices = #map1}, {transform_indices = #map}]} {
    %mul3A = arith.constant 16 : i32
    %mul3A_0 = arith.muli %arg0, %mul3A : i32
    %add3A = arith.addi %mul3A_0, %arg1 : i32
    %add3A_1 = arith.constant 0 : i32
    %add3A_2 = arith.addi %add3A, %add3A_1 : i32
    %lt3A = arith.constant 125 : i32
    %lt3A_3 = arith.cmpi slt, %add3A_2, %lt3A : i32
    %convert_element_type3A = arith.extui %lt3A_3 : i1 to i32
    %cond3A = arith.constant 0 : i32
    %cond3A_4 = arith.cmpi ne, %convert_element_type3A, %cond3A : i32
    scf.if %cond3A_4 {
      %mul3A_26 = arith.constant 80 : i32
      %mul3A_27 = arith.muli %add3A_2, %mul3A_26 : i32
      "tpu.region"() ({
        %run_scoped3A = tpu.sem_alloc : memref<!tpu.dma_semaphore, #tpu.memory_space<semaphore_mem>>
        %dma_start3A_32 = tpu.memref_slice %arg3[%mul3A_27] : memref<10000xi32, #tpu.memory_space<hbm>> -> memref<80xi32, #tpu.memory_space<hbm>>
        %dma_start3A_33 = tpu.memref_slice %arg3[%mul3A_27] : memref<10000xi32, #tpu.memory_space<hbm>> -> memref<80xi32, #tpu.memory_space<hbm>>
        tpu.enqueue_dma source(%dma_start3A_33 : memref<80xi32, #tpu.memory_space<hbm>>) target(%arg5 : memref<80xi32, #tpu.memory_space<vmem>>) target_semaphore(%run_scoped3A : memref<!tpu.dma_semaphore, #tpu.memory_space<semaphore_mem>>)
        %dma_wait3A_34 = tpu.memref_slice %arg3[%mul3A_27] : memref<10000xi32, #tpu.memory_space<hbm>> -> memref<80xi32, #tpu.memory_space<hbm>>
        %dma_wait3A_35 = tpu.memref_slice %arg3[%mul3A_27] : memref<10000xi32, #tpu.memory_space<hbm>> -> memref<80xi32, #tpu.memory_space<hbm>>
        tpu.wait_dma2 semaphore(%run_scoped3A : memref<!tpu.dma_semaphore, #tpu.memory_space<semaphore_mem>>) src(%dma_wait3A_35 : memref<80xi32, #tpu.memory_space<hbm>>) dst(%arg5 : memref<80xi32, #tpu.memory_space<vmem>>)
        tpu.yield
      }) : () -> ()
      %dma_start3A = arith.constant 0 : i32
      %dma_start3A_28 = arith.constant 0 : i32
      %dma_start3A_29 = tpu.memref_slice %arg2[%dma_start3A, %dma_start3A_28] : memref<1024x128xf32, #tpu.memory_space<hbm>> -> memref<1024x128xf32, #tpu.memory_space<hbm>>
      tpu.enqueue_indirect_dma source(%dma_start3A_29 : memref<1024x128xf32, #tpu.memory_space<hbm>>) target(%arg6 : memref<80x128xf32, #tpu.memory_space<vmem>>) offsets(%arg5 : memref<80xi32, #tpu.memory_space<vmem>>) semaphore(%arg7 : memref<!tpu.dma_semaphore, #tpu.memory_space<semaphore_mem>>)
      %dma_wait3A = arith.constant 0 : i32
      %dma_wait3A_30 = arith.constant 0 : i32
      %dma_wait3A_31 = tpu.memref_slice %arg2[%dma_wait3A, %dma_wait3A_30] : memref<1024x128xf32, #tpu.memory_space<hbm>> -> memref<1024x128xf32, #tpu.memory_space<hbm>>
      tpu.wait_indirect_dma semaphore(%arg7 : memref<!tpu.dma_semaphore, #tpu.memory_space<semaphore_mem>>) src(%dma_wait3A_31 : memref<1024x128xf32, #tpu.memory_space<hbm>>) dst(%arg6 : memref<80x128xf32, #tpu.memory_space<vmem>>)
      "tpu.region"() ({
        %run_scoped3A = tpu.sem_alloc : memref<!tpu.dma_semaphore, #tpu.memory_space<semaphore_mem>>
        %dma_start3A_32 = arith.constant 0 : i32
        %dma_start3A_33 = tpu.memref_slice %arg4[%mul3A_27, %dma_start3A_32] : memref<10000x128xf32, #tpu.memory_space<hbm>> -> memref<80x128xf32, #tpu.memory_space<hbm>>
        %dma_start3A_34 = arith.constant 0 : i32
        %dma_start3A_35 = tpu.memref_slice %arg4[%mul3A_27, %dma_start3A_34] : memref<10000x128xf32, #tpu.memory_space<hbm>> -> memref<80x128xf32, #tpu.memory_space<hbm>>
        tpu.enqueue_dma source(%arg6 : memref<80x128xf32, #tpu.memory_space<vmem>>) target(%dma_start3A_35 : memref<80x128xf32, #tpu.memory_space<hbm>>) target_semaphore(%run_scoped3A : memref<!tpu.dma_semaphore, #tpu.memory_space<semaphore_mem>>)
        %dma_wait3A_36 = arith.constant 0 : i32
        %dma_wait3A_37 = tpu.memref_slice %arg4[%mul3A_27, %dma_wait3A_36] : memref<10000x128xf32, #tpu.memory_space<hbm>> -> memref<80x128xf32, #tpu.memory_space<hbm>>
        %dma_wait3A_38 = arith.constant 0 : i32
        %dma_wait3A_39 = tpu.memref_slice %arg4[%mul3A_27, %dma_wait3A_38] : memref<10000x128xf32, #tpu.memory_space<hbm>> -> memref<80x128xf32, #tpu.memory_space<hbm>>
        tpu.wait_dma2 semaphore(%run_scoped3A : memref<!tpu.dma_semaphore, #tpu.memory_space<semaphore_mem>>) src(%arg6 : memref<80x128xf32, #tpu.memory_space<vmem>>) dst(%dma_wait3A_39 : memref<80x128xf32, #tpu.memory_space<hbm>>)
        tpu.yield
      }) : () -> ()
    } else {
    }
    %add3A_5 = arith.constant 32 : i32
    %add3A_6 = arith.addi %add3A, %add3A_5 : i32
    %lt3A_7 = arith.constant 125 : i32
    %lt3A_8 = arith.cmpi slt, %add3A_6, %lt3A_7 : i32
    %convert_element_type3A_9 = arith.extui %lt3A_8 : i1 to i32
    %cond3A_10 = arith.constant 0 : i32
    %cond3A_11 = arith.cmpi ne, %convert_element_type3A_9, %cond3A_10 : i32
    scf.if %cond3A_11 {
      %mul3A_26 = arith.constant 80 : i32
      %mul3A_27 = arith.muli %add3A_6, %mul3A_26 : i32
      "tpu.region"() ({
        %run_scoped3A = tpu.sem_alloc : memref<!tpu.dma_semaphore, #tpu.memory_space<semaphore_mem>>
        %dma_start3A_32 = tpu.memref_slice %arg3[%mul3A_27] : memref<10000xi32, #tpu.memory_space<hbm>> -> memref<80xi32, #tpu.memory_space<hbm>>
        %dma_start3A_33 = tpu.memref_slice %arg3[%mul3A_27] : memref<10000xi32, #tpu.memory_space<hbm>> -> memref<80xi32, #tpu.memory_space<hbm>>
        tpu.enqueue_dma source(%dma_start3A_33 : memref<80xi32, #tpu.memory_space<hbm>>) target(%arg5 : memref<80xi32, #tpu.memory_space<vmem>>) target_semaphore(%run_scoped3A : memref<!tpu.dma_semaphore, #tpu.memory_space<semaphore_mem>>)
        %dma_wait3A_34 = tpu.memref_slice %arg3[%mul3A_27] : memref<10000xi32, #tpu.memory_space<hbm>> -> memref<80xi32, #tpu.memory_space<hbm>>
        %dma_wait3A_35 = tpu.memref_slice %arg3[%mul3A_27] : memref<10000xi32, #tpu.memory_space<hbm>> -> memref<80xi32, #tpu.memory_space<hbm>>
        tpu.wait_dma2 semaphore(%run_scoped3A : memref<!tpu.dma_semaphore, #tpu.memory_space<semaphore_mem>>) src(%dma_wait3A_35 : memref<80xi32, #tpu.memory_space<hbm>>) dst(%arg5 : memref<80xi32, #tpu.memory_space<vmem>>)
        tpu.yield
      }) : () -> ()
      %dma_start3A = arith.constant 0 : i32
      %dma_start3A_28 = arith.constant 0 : i32
      %dma_start3A_29 = tpu.memref_slice %arg2[%dma_start3A, %dma_start3A_28] : memref<1024x128xf32, #tpu.memory_space<hbm>> -> memref<1024x128xf32, #tpu.memory_space<hbm>>
      tpu.enqueue_indirect_dma source(%dma_start3A_29 : memref<1024x128xf32, #tpu.memory_space<hbm>>) target(%arg6 : memref<80x128xf32, #tpu.memory_space<vmem>>) offsets(%arg5 : memref<80xi32, #tpu.memory_space<vmem>>) semaphore(%arg7 : memref<!tpu.dma_semaphore, #tpu.memory_space<semaphore_mem>>)
      %dma_wait3A = arith.constant 0 : i32
      %dma_wait3A_30 = arith.constant 0 : i32
      %dma_wait3A_31 = tpu.memref_slice %arg2[%dma_wait3A, %dma_wait3A_30] : memref<1024x128xf32, #tpu.memory_space<hbm>> -> memref<1024x128xf32, #tpu.memory_space<hbm>>
      tpu.wait_indirect_dma semaphore(%arg7 : memref<!tpu.dma_semaphore, #tpu.memory_space<semaphore_mem>>) src(%dma_wait3A_31 : memref<1024x128xf32, #tpu.memory_space<hbm>>) dst(%arg6 : memref<80x128xf32, #tpu.memory_space<vmem>>)
      "tpu.region"() ({
        %run_scoped3A = tpu.sem_alloc : memref<!tpu.dma_semaphore, #tpu.memory_space<semaphore_mem>>
        %dma_start3A_32 = arith.constant 0 : i32
        %dma_start3A_33 = tpu.memref_slice %arg4[%mul3A_27, %dma_start3A_32] : memref<10000x128xf32, #tpu.memory_space<hbm>> -> memref<80x128xf32, #tpu.memory_space<hbm>>
        %dma_start3A_34 = arith.constant 0 : i32
        %dma_start3A_35 = tpu.memref_slice %arg4[%mul3A_27, %dma_start3A_34] : memref<10000x128xf32, #tpu.memory_space<hbm>> -> memref<80x128xf32, #tpu.memory_space<hbm>>
        tpu.enqueue_dma source(%arg6 : memref<80x128xf32, #tpu.memory_space<vmem>>) target(%dma_start3A_35 : memref<80x128xf32, #tpu.memory_space<hbm>>) target_semaphore(%run_scoped3A : memref<!tpu.dma_semaphore, #tpu.memory_space<semaphore_mem>>)
        %dma_wait3A_36 = arith.constant 0 : i32
        %dma_wait3A_37 = tpu.memref_slice %arg4[%mul3A_27, %dma_wait3A_36] : memref<10000x128xf32, #tpu.memory_space<hbm>> -> memref<80x128xf32, #tpu.memory_space<hbm>>
        %dma_wait3A_38 = arith.constant 0 : i32
        %dma_wait3A_39 = tpu.memref_slice %arg4[%mul3A_27, %dma_wait3A_38] : memref<10000x128xf32, #tpu.memory_space<hbm>> -> memref<80x128xf32, #tpu.memory_space<hbm>>
        tpu.wait_dma2 semaphore(%run_scoped3A : memref<!tpu.dma_semaphore, #tpu.memory_space<semaphore_mem>>) src(%arg6 : memref<80x128xf32, #tpu.memory_space<vmem>>) dst(%dma_wait3A_39 : memref<80x128xf32, #tpu.memory_space<hbm>>)
        tpu.yield
      }) : () -> ()
    } else {
    }
    %add3A_12 = arith.constant 64 : i32
    %add3A_13 = arith.addi %add3A, %add3A_12 : i32
    %lt3A_14 = arith.constant 125 : i32
    %lt3A_15 = arith.cmpi slt, %add3A_13, %lt3A_14 : i32
    %convert_element_type3A_16 = arith.extui %lt3A_15 : i1 to i32
    %cond3A_17 = arith.constant 0 : i32
    %cond3A_18 = arith.cmpi ne, %convert_element_type3A_16, %cond3A_17 : i32
    scf.if %cond3A_18 {
      %mul3A_26 = arith.constant 80 : i32
      %mul3A_27 = arith.muli %add3A_13, %mul3A_26 : i32
      "tpu.region"() ({
        %run_scoped3A = tpu.sem_alloc : memref<!tpu.dma_semaphore, #tpu.memory_space<semaphore_mem>>
        %dma_start3A_32 = tpu.memref_slice %arg3[%mul3A_27] : memref<10000xi32, #tpu.memory_space<hbm>> -> memref<80xi32, #tpu.memory_space<hbm>>
        %dma_start3A_33 = tpu.memref_slice %arg3[%mul3A_27] : memref<10000xi32, #tpu.memory_space<hbm>> -> memref<80xi32, #tpu.memory_space<hbm>>
        tpu.enqueue_dma source(%dma_start3A_33 : memref<80xi32, #tpu.memory_space<hbm>>) target(%arg5 : memref<80xi32, #tpu.memory_space<vmem>>) target_semaphore(%run_scoped3A : memref<!tpu.dma_semaphore, #tpu.memory_space<semaphore_mem>>)
        %dma_wait3A_34 = tpu.memref_slice %arg3[%mul3A_27] : memref<10000xi32, #tpu.memory_space<hbm>> -> memref<80xi32, #tpu.memory_space<hbm>>
        %dma_wait3A_35 = tpu.memref_slice %arg3[%mul3A_27] : memref<10000xi32, #tpu.memory_space<hbm>> -> memref<80xi32, #tpu.memory_space<hbm>>
        tpu.wait_dma2 semaphore(%run_scoped3A : memref<!tpu.dma_semaphore, #tpu.memory_space<semaphore_mem>>) src(%dma_wait3A_35 : memref<80xi32, #tpu.memory_space<hbm>>) dst(%arg5 : memref<80xi32, #tpu.memory_space<vmem>>)
        tpu.yield
      }) : () -> ()
      %dma_start3A = arith.constant 0 : i32
      %dma_start3A_28 = arith.constant 0 : i32
      %dma_start3A_29 = tpu.memref_slice %arg2[%dma_start3A, %dma_start3A_28] : memref<1024x128xf32, #tpu.memory_space<hbm>> -> memref<1024x128xf32, #tpu.memory_space<hbm>>
      tpu.enqueue_indirect_dma source(%dma_start3A_29 : memref<1024x128xf32, #tpu.memory_space<hbm>>) target(%arg6 : memref<80x128xf32, #tpu.memory_space<vmem>>) offsets(%arg5 : memref<80xi32, #tpu.memory_space<vmem>>) semaphore(%arg7 : memref<!tpu.dma_semaphore, #tpu.memory_space<semaphore_mem>>)
      %dma_wait3A = arith.constant 0 : i32
      %dma_wait3A_30 = arith.constant 0 : i32
      %dma_wait3A_31 = tpu.memref_slice %arg2[%dma_wait3A, %dma_wait3A_30] : memref<1024x128xf32, #tpu.memory_space<hbm>> -> memref<1024x128xf32, #tpu.memory_space<hbm>>
      tpu.wait_indirect_dma semaphore(%arg7 : memref<!tpu.dma_semaphore, #tpu.memory_space<semaphore_mem>>) src(%dma_wait3A_31 : memref<1024x128xf32, #tpu.memory_space<hbm>>) dst(%arg6 : memref<80x128xf32, #tpu.memory_space<vmem>>)
      "tpu.region"() ({
        %run_scoped3A = tpu.sem_alloc : memref<!tpu.dma_semaphore, #tpu.memory_space<semaphore_mem>>
        %dma_start3A_32 = arith.constant 0 : i32
        %dma_start3A_33 = tpu.memref_slice %arg4[%mul3A_27, %dma_start3A_32] : memref<10000x128xf32, #tpu.memory_space<hbm>> -> memref<80x128xf32, #tpu.memory_space<hbm>>
        %dma_start3A_34 = arith.constant 0 : i32
        %dma_start3A_35 = tpu.memref_slice %arg4[%mul3A_27, %dma_start3A_34] : memref<10000x128xf32, #tpu.memory_space<hbm>> -> memref<80x128xf32, #tpu.memory_space<hbm>>
        tpu.enqueue_dma source(%arg6 : memref<80x128xf32, #tpu.memory_space<vmem>>) target(%dma_start3A_35 : memref<80x128xf32, #tpu.memory_space<hbm>>) target_semaphore(%run_scoped3A : memref<!tpu.dma_semaphore, #tpu.memory_space<semaphore_mem>>)
        %dma_wait3A_36 = arith.constant 0 : i32
        %dma_wait3A_37 = tpu.memref_slice %arg4[%mul3A_27, %dma_wait3A_36] : memref<10000x128xf32, #tpu.memory_space<hbm>> -> memref<80x128xf32, #tpu.memory_space<hbm>>
        %dma_wait3A_38 = arith.constant 0 : i32
        %dma_wait3A_39 = tpu.memref_slice %arg4[%mul3A_27, %dma_wait3A_38] : memref<10000x128xf32, #tpu.memory_space<hbm>> -> memref<80x128xf32, #tpu.memory_space<hbm>>
        tpu.wait_dma2 semaphore(%run_scoped3A : memref<!tpu.dma_semaphore, #tpu.memory_space<semaphore_mem>>) src(%arg6 : memref<80x128xf32, #tpu.memory_space<vmem>>) dst(%dma_wait3A_39 : memref<80x128xf32, #tpu.memory_space<hbm>>)
        tpu.yield
      }) : () -> ()
    } else {
    }
    %add3A_19 = arith.constant 96 : i32
    %add3A_20 = arith.addi %add3A, %add3A_19 : i32
    %lt3A_21 = arith.constant 125 : i32
    %lt3A_22 = arith.cmpi slt, %add3A_20, %lt3A_21 : i32
    %convert_element_type3A_23 = arith.extui %lt3A_22 : i1 to i32
    %cond3A_24 = arith.constant 0 : i32
    %cond3A_25 = arith.cmpi ne, %convert_element_type3A_23, %cond3A_24 : i32
    scf.if %cond3A_25 {
      %mul3A_26 = arith.constant 80 : i32
      %mul3A_27 = arith.muli %add3A_20, %mul3A_26 : i32
      "tpu.region"() ({
        %run_scoped3A = tpu.sem_alloc : memref<!tpu.dma_semaphore, #tpu.memory_space<semaphore_mem>>
        %dma_start3A_32 = tpu.memref_slice %arg3[%mul3A_27] : memref<10000xi32, #tpu.memory_space<hbm>> -> memref<80xi32, #tpu.memory_space<hbm>>
        %dma_start3A_33 = tpu.memref_slice %arg3[%mul3A_27] : memref<10000xi32, #tpu.memory_space<hbm>> -> memref<80xi32, #tpu.memory_space<hbm>>
        tpu.enqueue_dma source(%dma_start3A_33 : memref<80xi32, #tpu.memory_space<hbm>>) target(%arg5 : memref<80xi32, #tpu.memory_space<vmem>>) target_semaphore(%run_scoped3A : memref<!tpu.dma_semaphore, #tpu.memory_space<semaphore_mem>>)
        %dma_wait3A_34 = tpu.memref_slice %arg3[%mul3A_27] : memref<10000xi32, #tpu.memory_space<hbm>> -> memref<80xi32, #tpu.memory_space<hbm>>
        %dma_wait3A_35 = tpu.memref_slice %arg3[%mul3A_27] : memref<10000xi32, #tpu.memory_space<hbm>> -> memref<80xi32, #tpu.memory_space<hbm>>
        tpu.wait_dma2 semaphore(%run_scoped3A : memref<!tpu.dma_semaphore, #tpu.memory_space<semaphore_mem>>) src(%dma_wait3A_35 : memref<80xi32, #tpu.memory_space<hbm>>) dst(%arg5 : memref<80xi32, #tpu.memory_space<vmem>>)
        tpu.yield
      }) : () -> ()
      %dma_start3A = arith.constant 0 : i32
      %dma_start3A_28 = arith.constant 0 : i32
      %dma_start3A_29 = tpu.memref_slice %arg2[%dma_start3A, %dma_start3A_28] : memref<1024x128xf32, #tpu.memory_space<hbm>> -> memref<1024x128xf32, #tpu.memory_space<hbm>>
      tpu.enqueue_indirect_dma source(%dma_start3A_29 : memref<1024x128xf32, #tpu.memory_space<hbm>>) target(%arg6 : memref<80x128xf32, #tpu.memory_space<vmem>>) offsets(%arg5 : memref<80xi32, #tpu.memory_space<vmem>>) semaphore(%arg7 : memref<!tpu.dma_semaphore, #tpu.memory_space<semaphore_mem>>)
      %dma_wait3A = arith.constant 0 : i32
      %dma_wait3A_30 = arith.constant 0 : i32
      %dma_wait3A_31 = tpu.memref_slice %arg2[%dma_wait3A, %dma_wait3A_30] : memref<1024x128xf32, #tpu.memory_space<hbm>> -> memref<1024x128xf32, #tpu.memory_space<hbm>>
      tpu.wait_indirect_dma semaphore(%arg7 : memref<!tpu.dma_semaphore, #tpu.memory_space<semaphore_mem>>) src(%dma_wait3A_31 : memref<1024x128xf32, #tpu.memory_space<hbm>>) dst(%arg6 : memref<80x128xf32, #tpu.memory_space<vmem>>)
      "tpu.region"() ({
        %run_scoped3A = tpu.sem_alloc : memref<!tpu.dma_semaphore, #tpu.memory_space<semaphore_mem>>
        %dma_start3A_32 = arith.constant 0 : i32
        %dma_start3A_33 = tpu.memref_slice %arg4[%mul3A_27, %dma_start3A_32] : memref<10000x128xf32, #tpu.memory_space<hbm>> -> memref<80x128xf32, #tpu.memory_space<hbm>>
        %dma_start3A_34 = arith.constant 0 : i32
        %dma_start3A_35 = tpu.memref_slice %arg4[%mul3A_27, %dma_start3A_34] : memref<10000x128xf32, #tpu.memory_space<hbm>> -> memref<80x128xf32, #tpu.memory_space<hbm>>
        tpu.enqueue_dma source(%arg6 : memref<80x128xf32, #tpu.memory_space<vmem>>) target(%dma_start3A_35 : memref<80x128xf32, #tpu.memory_space<hbm>>) target_semaphore(%run_scoped3A : memref<!tpu.dma_semaphore, #tpu.memory_space<semaphore_mem>>)
        %dma_wait3A_36 = arith.constant 0 : i32
        %dma_wait3A_37 = tpu.memref_slice %arg4[%mul3A_27, %dma_wait3A_36] : memref<10000x128xf32, #tpu.memory_space<hbm>> -> memref<80x128xf32, #tpu.memory_space<hbm>>
        %dma_wait3A_38 = arith.constant 0 : i32
        %dma_wait3A_39 = tpu.memref_slice %arg4[%mul3A_27, %dma_wait3A_38] : memref<10000x128xf32, #tpu.memory_space<hbm>> -> memref<80x128xf32, #tpu.memory_space<hbm>>
        tpu.wait_dma2 semaphore(%run_scoped3A : memref<!tpu.dma_semaphore, #tpu.memory_space<semaphore_mem>>) src(%arg6 : memref<80x128xf32, #tpu.memory_space<vmem>>) dst(%dma_wait3A_39 : memref<80x128xf32, #tpu.memory_space<hbm>>)
        tpu.yield
      }) : () -> ()
    } else {
    }
    return
  }
}

module attributes {stable_mosaic.version = 14 : i64} {
  func.func @_prep_body(%arg0: i32, %arg1: memref<16x3200xf32, #tpu.memory_space<vmem>>, %arg2: memref<10000x128xf32, #tpu.memory_space<vmem>>, %arg3: memref<1024x128xf32, #tpu.memory_space<vmem>>, %arg4: memref<16x128xf32, #tpu.memory_space<vmem>>, %arg5: memref<1x128xf32, #tpu.memory_space<vmem>>, %arg6: memref<16x16xf32, #tpu.memory_space<vmem>>, %arg7: memref<1x16xf32, #tpu.memory_space<vmem>>, %arg8: memref<128x160xf32, #tpu.memory_space<vmem>>, %arg9: memref<1x160xf32, #tpu.memory_space<vmem>>, %arg10: memref<160x144xf32, #tpu.memory_space<vmem>>, %arg11: memref<144x128xf32, #tpu.memory_space<vmem>>, %arg12: memref<128x128xf32, #tpu.memory_space<vmem>>, %arg13: memref<1x128xf32, #tpu.memory_space<vmem>>, %arg14: memref<3200x128xf32, #tpu.memory_space<vmem>>, %arg15: memref<3200x16xf32, #tpu.memory_space<vmem>>, %arg16: memref<10000x160xf32, #tpu.memory_space<vmem>>, %arg17: memref<1024x128xf32, #tpu.memory_space<vmem>>, %arg18: memref<160x128xf32, #tpu.memory_space<vmem>>) attributes {dimension_semantics = [#tpu.dimension_semantics<arbitrary>], iteration_bounds = array<i64: 100>, scalar_prefetch = 0 : i64, scratch_operands = 0 : i64, tpu.core_type = #tpu.core_type<tc>, window_params = [{transform_indices = @transform_0, window_bounds = array<i64: 16, 3200>}, {pipeline_mode = #tpu.pipeline_mode<synchronous>, transform_indices = @transform_1, window_bounds = array<i64: 10000, 128>}, {pipeline_mode = #tpu.pipeline_mode<synchronous>, transform_indices = @transform_2, window_bounds = array<i64: 1024, 128>}, {pipeline_mode = #tpu.pipeline_mode<synchronous>, transform_indices = @transform_3, window_bounds = array<i64: 16, 128>}, {pipeline_mode = #tpu.pipeline_mode<synchronous>, transform_indices = @transform_4, window_bounds = array<i64: 1, 128>}, {pipeline_mode = #tpu.pipeline_mode<synchronous>, transform_indices = @transform_5, window_bounds = array<i64: 16, 16>}, {pipeline_mode = #tpu.pipeline_mode<synchronous>, transform_indices = @transform_6, window_bounds = array<i64: 1, 16>}, {pipeline_mode = #tpu.pipeline_mode<synchronous>, transform_indices = @transform_7, window_bounds = array<i64: 128, 160>}, {pipeline_mode = #tpu.pipeline_mode<synchronous>, transform_indices = @transform_8, window_bounds = array<i64: 1, 160>}, {pipeline_mode = #tpu.pipeline_mode<synchronous>, transform_indices = @transform_9, window_bounds = array<i64: 160, 144>}, {pipeline_mode = #tpu.pipeline_mode<synchronous>, transform_indices = @transform_10, window_bounds = array<i64: 144, 128>}, {pipeline_mode = #tpu.pipeline_mode<synchronous>, transform_indices = @transform_11, window_bounds = array<i64: 128, 128>}, {pipeline_mode = #tpu.pipeline_mode<synchronous>, transform_indices = @transform_12, window_bounds = array<i64: 1, 128>}, {transform_indices = @transform_13, window_bounds = array<i64: 3200, 128>}, {transform_indices = @transform_14, window_bounds = array<i64: 3200, 16>}, {pipeline_mode = #tpu.pipeline_mode<synchronous>, transform_indices = @transform_15, window_bounds = array<i64: 10000, 160>}, {pipeline_mode = #tpu.pipeline_mode<synchronous>, transform_indices = @transform_16, window_bounds = array<i64: 1024, 128>}, {pipeline_mode = #tpu.pipeline_mode<synchronous>, transform_indices = @transform_17, window_bounds = array<i64: 160, 128>}]} {
    %get3A = arith.constant 0 : index
    %get3A_0 = arith.constant 0 : index
    %get3A_1 = vector.load %arg1[%get3A, %get3A_0] : memref<16x3200xf32, #tpu.memory_space<vmem>>, vector<16x3200xf32>
    %get3A_2 = arith.constant 0 : index
    %get3A_3 = arith.constant 0 : index
    %get3A_4 = vector.load %arg4[%get3A_2, %get3A_3] : memref<16x128xf32, #tpu.memory_space<vmem>>, vector<16x128xf32>
    %dot_general3A = arith.constant dense<0.000000e+00> : vector<3200x128xf32>
    %dot_general3A_5 = tpu.matmul %get3A_1, %get3A_4, %dot_general3A {dimension_numbers = #tpu.dot_dimension_numbers<[0], [0], [1], [1], [0, 1, 1, 1], [], []>, transpose_lhs_hint = false} : vector<16x3200xf32>, vector<16x128xf32>, vector<3200x128xf32> -> vector<3200x128xf32>
    %get3A_6 = arith.constant 0 : index
    %get3A_7 = arith.constant 0 : index
    %get3A_8 = vector.load %arg5[%get3A_6, %get3A_7] : memref<1x128xf32, #tpu.memory_space<vmem>>, vector<1x128xf32>
    %add3A = vector.broadcast %get3A_8 : vector<1x128xf32> to vector<3200x128xf32>
    %add3A_9 = arith.addf %dot_general3A_5, %add3A : vector<3200x128xf32>
    %swap3A = arith.constant 0 : index
    %swap3A_10 = arith.constant 0 : index
    %swap3A_11 = vector.load %arg14[%swap3A, %swap3A_10] : memref<3200x128xf32, #tpu.memory_space<vmem>>, vector<3200x128xf32>
    tpu.vector_store %arg14[%swap3A, %swap3A_10], %add3A_9 {strides = array<i32>} : memref<3200x128xf32, #tpu.memory_space<vmem>>, vector<3200x128xf32>,
    %get3A_12 = arith.constant 0 : index
    %get3A_13 = arith.constant 0 : index
    %get3A_14 = vector.load %arg6[%get3A_12, %get3A_13] : memref<16x16xf32, #tpu.memory_space<vmem>>, vector<16x16xf32>
    %dot_general3A_15 = arith.constant dense<0.000000e+00> : vector<3200x16xf32>
    %dot_general3A_16 = tpu.matmul %get3A_1, %get3A_14, %dot_general3A_15 {dimension_numbers = #tpu.dot_dimension_numbers<[0], [0], [1], [1], [0, 1, 1, 1], [], []>, transpose_lhs_hint = false} : vector<16x3200xf32>, vector<16x16xf32>, vector<3200x16xf32> -> vector<3200x16xf32>
    %get3A_17 = arith.constant 0 : index
    %get3A_18 = arith.constant 0 : index
    %get3A_19 = vector.load %arg7[%get3A_17, %get3A_18] : memref<1x16xf32, #tpu.memory_space<vmem>>, vector<1x16xf32>
    %add3A_20 = vector.broadcast %get3A_19 : vector<1x16xf32> to vector<3200x16xf32>
    %add3A_21 = arith.addf %dot_general3A_16, %add3A_20 : vector<3200x16xf32>
    %swap3A_22 = arith.constant 0 : index
    %swap3A_23 = arith.constant 0 : index
    %swap3A_24 = vector.load %arg15[%swap3A_22, %swap3A_23] : memref<3200x16xf32, #tpu.memory_space<vmem>>, vector<3200x16xf32>
    tpu.vector_store %arg15[%swap3A_22, %swap3A_23], %add3A_21 {strides = array<i32>} : memref<3200x16xf32, #tpu.memory_space<vmem>>, vector<3200x16xf32>,
    %eq3A = arith.constant 0 : i32
    %eq3A_25 = arith.cmpi eq, %arg0, %eq3A : i32
    %convert_element_type3A = arith.extui %eq3A_25 : i1 to i32
    %cond3A = arith.constant 0 : i32
    %cond3A_26 = arith.cmpi ne, %convert_element_type3A, %cond3A : i32
    scf.if %cond3A_26 {
      %get3A_27 = arith.constant 0 : index
      %get3A_28 = arith.constant 0 : index
      %get3A_29 = vector.load %arg2[%get3A_27, %get3A_28] : memref<10000x128xf32, #tpu.memory_space<vmem>>, vector<10000x128xf32>
      %get3A_30 = arith.constant 0 : index
      %get3A_31 = arith.constant 0 : index
      %get3A_32 = vector.load %arg8[%get3A_30, %get3A_31] : memref<128x160xf32, #tpu.memory_space<vmem>>, vector<128x160xf32>
      %dot_general3A_33 = arith.constant dense<0.000000e+00> : vector<10000x160xf32>
      %dot_general3A_34 = tpu.matmul %get3A_29, %get3A_32, %dot_general3A_33 {dimension_numbers = #tpu.dot_dimension_numbers<[1], [0], [0], [1], [0, 0, 1, 1], [], []>, transpose_lhs_hint = false} : vector<10000x128xf32>, vector<128x160xf32>, vector<10000x160xf32> -> vector<10000x160xf32>
      %get3A_35 = arith.constant 0 : index
      %get3A_36 = arith.constant 0 : index
      %get3A_37 = vector.load %arg9[%get3A_35, %get3A_36] : memref<1x160xf32, #tpu.memory_space<vmem>>, vector<1x160xf32>
      %add3A_38 = vector.broadcast %get3A_37 : vector<1x160xf32> to vector<10000x160xf32>
      %add3A_39 = arith.addf %dot_general3A_34, %add3A_38 : vector<10000x160xf32>
      %swap3A_40 = arith.constant 0 : index
      %swap3A_41 = arith.constant 0 : index
      %swap3A_42 = vector.load %arg16[%swap3A_40, %swap3A_41] : memref<10000x160xf32, #tpu.memory_space<vmem>>, vector<10000x160xf32>
      tpu.vector_store %arg16[%swap3A_40, %swap3A_41], %add3A_39 {strides = array<i32>} : memref<10000x160xf32, #tpu.memory_space<vmem>>, vector<10000x160xf32>,
      %get3A_43 = arith.constant 0 : index
      %get3A_44 = arith.constant 0 : index
      %get3A_45 = vector.load %arg3[%get3A_43, %get3A_44] : memref<1024x128xf32, #tpu.memory_space<vmem>>, vector<1024x128xf32>
      %get3A_46 = arith.constant 0 : index
      %get3A_47 = arith.constant 0 : index
      %get3A_48 = vector.load %arg12[%get3A_46, %get3A_47] : memref<128x128xf32, #tpu.memory_space<vmem>>, vector<128x128xf32>
      %dot_general3A_49 = arith.constant dense<0.000000e+00> : vector<1024x128xf32>
      %dot_general3A_50 = tpu.matmul %get3A_45, %get3A_48, %dot_general3A_49 {dimension_numbers = #tpu.dot_dimension_numbers<[1], [0], [0], [1], [0, 0, 1, 1], [], []>, transpose_lhs_hint = false} : vector<1024x128xf32>, vector<128x128xf32>, vector<1024x128xf32> -> vector<1024x128xf32>
      %get3A_51 = arith.constant 0 : index
      %get3A_52 = arith.constant 0 : index
      %get3A_53 = vector.load %arg13[%get3A_51, %get3A_52] : memref<1x128xf32, #tpu.memory_space<vmem>>, vector<1x128xf32>
      %add3A_54 = vector.broadcast %get3A_53 : vector<1x128xf32> to vector<1024x128xf32>
      %add3A_55 = arith.addf %dot_general3A_50, %add3A_54 : vector<1024x128xf32>
      %swap3A_56 = arith.constant 0 : index
      %swap3A_57 = arith.constant 0 : index
      %swap3A_58 = vector.load %arg17[%swap3A_56, %swap3A_57] : memref<1024x128xf32, #tpu.memory_space<vmem>>, vector<1024x128xf32>
      tpu.vector_store %arg17[%swap3A_56, %swap3A_57], %add3A_55 {strides = array<i32>} : memref<1024x128xf32, #tpu.memory_space<vmem>>, vector<1024x128xf32>,
      %get3A_59 = arith.constant 0 : index
      %get3A_60 = arith.constant 0 : index
      %get3A_61 = vector.load %arg10[%get3A_59, %get3A_60] : memref<160x144xf32, #tpu.memory_space<vmem>>, vector<160x144xf32>
      %get3A_62 = arith.constant 0 : index
      %get3A_63 = arith.constant 0 : index
      %get3A_64 = vector.load %arg11[%get3A_62, %get3A_63] : memref<144x128xf32, #tpu.memory_space<vmem>>, vector<144x128xf32>
      %dot_general3A_65 = arith.constant dense<0.000000e+00> : vector<160x128xf32>
      %dot_general3A_66 = tpu.matmul %get3A_61, %get3A_64, %dot_general3A_65 {dimension_numbers = #tpu.dot_dimension_numbers<[1], [0], [0], [1], [0, 0, 1, 1], [], []>, transpose_lhs_hint = false} : vector<160x144xf32>, vector<144x128xf32>, vector<160x128xf32> -> vector<160x128xf32>
      %swap3A_67 = arith.constant 0 : index
      %swap3A_68 = arith.constant 0 : index
      %swap3A_69 = vector.load %arg18[%swap3A_67, %swap3A_68] : memref<160x128xf32, #tpu.memory_space<vmem>>, vector<160x128xf32>
      tpu.vector_store %arg18[%swap3A_67, %swap3A_68], %dot_general3A_66 {strides = array<i32>} : memref<160x128xf32, #tpu.memory_space<vmem>>, vector<160x128xf32>,
    } else {
    }
    return
  }
  func.func @transform_0(%arg0: i32) -> (i32, i32) {
    %c0_i32 = arith.constant 0 : i32
    %c0_i32_0 = arith.constant 0 : i32
    return %c0_i32, %arg0 : i32, i32
  }
  func.func @transform_1(%arg0: i32) -> (i32, i32) {
    %c0_i32 = arith.constant 0 : i32
    %c0_i32_0 = arith.constant 0 : i32
    %c0_i32_1 = arith.constant 0 : i32
    return %c0_i32, %c0_i32_0 : i32, i32
  }
  func.func @transform_2(%arg0: i32) -> (i32, i32) {
    %c0_i32 = arith.constant 0 : i32
    %c0_i32_0 = arith.constant 0 : i32
    %c0_i32_1 = arith.constant 0 : i32
    return %c0_i32, %c0_i32_0 : i32, i32
  }
  func.func @transform_3(%arg0: i32) -> (i32, i32) {
    %c0_i32 = arith.constant 0 : i32
    %c0_i32_0 = arith.constant 0 : i32
    %c0_i32_1 = arith.constant 0 : i32
    return %c0_i32, %c0_i32_0 : i32, i32
  }
  func.func @transform_4(%arg0: i32) -> (i32, i32) {
    %c0_i32 = arith.constant 0 : i32
    %c0_i32_0 = arith.constant 0 : i32
    %c0_i32_1 = arith.constant 0 : i32
    return %c0_i32, %c0_i32_0 : i32, i32
  }
  func.func @transform_5(%arg0: i32) -> (i32, i32) {
    %c0_i32 = arith.constant 0 : i32
    %c0_i32_0 = arith.constant 0 : i32
    %c0_i32_1 = arith.constant 0 : i32
    return %c0_i32, %c0_i32_0 : i32, i32
  }
  func.func @transform_6(%arg0: i32) -> (i32, i32) {
    %c0_i32 = arith.constant 0 : i32
    %c0_i32_0 = arith.constant 0 : i32
    %c0_i32_1 = arith.constant 0 : i32
    return %c0_i32, %c0_i32_0 : i32, i32
  }
  func.func @transform_7(%arg0: i32) -> (i32, i32) {
    %c0_i32 = arith.constant 0 : i32
    %c0_i32_0 = arith.constant 0 : i32
    %c0_i32_1 = arith.constant 0 : i32
    return %c0_i32, %c0_i32_0 : i32, i32
  }
  func.func @transform_8(%arg0: i32) -> (i32, i32) {
    %c0_i32 = arith.constant 0 : i32
    %c0_i32_0 = arith.constant 0 : i32
    %c0_i32_1 = arith.constant 0 : i32
    return %c0_i32, %c0_i32_0 : i32, i32
  }
  func.func @transform_9(%arg0: i32) -> (i32, i32) {
    %c0_i32 = arith.constant 0 : i32
    %c0_i32_0 = arith.constant 0 : i32
    %c0_i32_1 = arith.constant 0 : i32
    return %c0_i32, %c0_i32_0 : i32, i32
  }
  func.func @transform_10(%arg0: i32) -> (i32, i32) {
    %c0_i32 = arith.constant 0 : i32
    %c0_i32_0 = arith.constant 0 : i32
    %c0_i32_1 = arith.constant 0 : i32
    return %c0_i32, %c0_i32_0 : i32, i32
  }
  func.func @transform_11(%arg0: i32) -> (i32, i32) {
    %c0_i32 = arith.constant 0 : i32
    %c0_i32_0 = arith.constant 0 : i32
    %c0_i32_1 = arith.constant 0 : i32
    return %c0_i32, %c0_i32_0 : i32, i32
  }
  func.func @transform_12(%arg0: i32) -> (i32, i32) {
    %c0_i32 = arith.constant 0 : i32
    %c0_i32_0 = arith.constant 0 : i32
    %c0_i32_1 = arith.constant 0 : i32
    return %c0_i32, %c0_i32_0 : i32, i32
  }
  func.func @transform_13(%arg0: i32) -> (i32, i32) {
    %c0_i32 = arith.constant 0 : i32
    %c0_i32_0 = arith.constant 0 : i32
    return %arg0, %c0_i32 : i32, i32
  }
  func.func @transform_14(%arg0: i32) -> (i32, i32) {
    %c0_i32 = arith.constant 0 : i32
    %c0_i32_0 = arith.constant 0 : i32
    return %arg0, %c0_i32 : i32, i32
  }
  func.func @transform_15(%arg0: i32) -> (i32, i32) {
    %c0_i32 = arith.constant 0 : i32
    %c0_i32_0 = arith.constant 0 : i32
    %c0_i32_1 = arith.constant 0 : i32
    return %c0_i32, %c0_i32_0 : i32, i32
  }
  func.func @transform_16(%arg0: i32) -> (i32, i32) {
    %c0_i32 = arith.constant 0 : i32
    %c0_i32_0 = arith.constant 0 : i32
    %c0_i32_1 = arith.constant 0 : i32
    return %c0_i32, %c0_i32_0 : i32, i32
  }
  func.func @transform_17(%arg0: i32) -> (i32, i32) {
    %c0_i32 = arith.constant 0 : i32
    %c0_i32_0 = arith.constant 0 : i32
    %c0_i32_1 = arith.constant 0 : i32
    return %c0_i32, %c0_i32_0 : i32, i32
  }
}

module attributes {stable_mosaic.version = 14 : i64} {
  func.func @_out_body(%arg0: i32, %arg1: memref<1000x128xf32, #tpu.memory_space<vmem>>, %arg2: memref<2x1000x160xf32, #tpu.memory_space<vmem>>, %arg3: memref<1000x128xf32, #tpu.memory_space<vmem>>, %arg4: memref<128x128xf32, #tpu.memory_space<vmem>>, %arg5: memref<160x128xf32, #tpu.memory_space<vmem>>, %arg6: memref<128x128xf32, #tpu.memory_space<vmem>>, %arg7: memref<1x128xf32, #tpu.memory_space<vmem>>, %arg8: memref<1000x128xf32, #tpu.memory_space<vmem>>) attributes {dimension_semantics = [#tpu.dimension_semantics<arbitrary>], iteration_bounds = array<i64: 10>, scalar_prefetch = 0 : i64, scratch_operands = 0 : i64, tpu.core_type = #tpu.core_type<tc>, window_params = [{transform_indices = @transform_0, window_bounds = array<i64: 1000, 128>}, {transform_indices = @transform_1, window_bounds = array<i64: 2, 1000, 160>}, {transform_indices = @transform_2, window_bounds = array<i64: 1000, 128>}, {pipeline_mode = #tpu.pipeline_mode<synchronous>, transform_indices = @transform_3, window_bounds = array<i64: 128, 128>}, {pipeline_mode = #tpu.pipeline_mode<synchronous>, transform_indices = @transform_4, window_bounds = array<i64: 160, 128>}, {pipeline_mode = #tpu.pipeline_mode<synchronous>, transform_indices = @transform_5, window_bounds = array<i64: 128, 128>}, {pipeline_mode = #tpu.pipeline_mode<synchronous>, transform_indices = @transform_6, window_bounds = array<i64: 1, 128>}, {transform_indices = @transform_7, window_bounds = array<i64: 1000, 128>}]} {
    %get3A = arith.constant 0 : index
    %get3A_0 = arith.constant 0 : index
    %get3A_1 = arith.constant 0 : index
    %get3A_2 = vector.load %arg2[%get3A, %get3A_0, %get3A_1] : memref<2x1000x160xf32, #tpu.memory_space<vmem>>, vector<1x1000x160xf32>
    %get3A_3 = vector.shape_cast %get3A_2 : vector<1x1000x160xf32> to vector<1000x160xf32>
    %get3A_4 = arith.constant 1 : index
    %get3A_5 = arith.constant 0 : index
    %get3A_6 = arith.constant 0 : index
    %get3A_7 = vector.load %arg2[%get3A_4, %get3A_5, %get3A_6] : memref<2x1000x160xf32, #tpu.memory_space<vmem>>, vector<1x1000x160xf32>
    %get3A_8 = vector.shape_cast %get3A_7 : vector<1x1000x160xf32> to vector<1000x160xf32>
    %add3A = arith.addf %get3A_3, %get3A_8 : vector<1000x160xf32>
    %get3A_9 = arith.constant 0 : index
    %get3A_10 = arith.constant 0 : index
    %get3A_11 = vector.load %arg1[%get3A_9, %get3A_10] : memref<1000x128xf32, #tpu.memory_space<vmem>>, vector<1000x128xf32>
    %get3A_12 = arith.constant 0 : index
    %get3A_13 = arith.constant 0 : index
    %get3A_14 = vector.load %arg4[%get3A_12, %get3A_13] : memref<128x128xf32, #tpu.memory_space<vmem>>, vector<128x128xf32>
    %dot_general3A = arith.constant dense<0.000000e+00> : vector<1000x128xf32>
    %dot_general3A_15 = tpu.matmul %get3A_11, %get3A_14, %dot_general3A {dimension_numbers = #tpu.dot_dimension_numbers<[1], [0], [0], [1], [0, 0, 1, 1], [], []>, transpose_lhs_hint = false} : vector<1000x128xf32>, vector<128x128xf32>, vector<1000x128xf32> -> vector<1000x128xf32>
    %get3A_16 = arith.constant 0 : index
    %get3A_17 = arith.constant 0 : index
    %get3A_18 = vector.load %arg5[%get3A_16, %get3A_17] : memref<160x128xf32, #tpu.memory_space<vmem>>, vector<160x128xf32>
    %dot_general3A_19 = arith.constant dense<0.000000e+00> : vector<1000x128xf32>
    %dot_general3A_20 = tpu.matmul %add3A, %get3A_18, %dot_general3A_19 {dimension_numbers = #tpu.dot_dimension_numbers<[1], [0], [0], [1], [0, 0, 1, 1], [], []>, transpose_lhs_hint = false} : vector<1000x160xf32>, vector<160x128xf32>, vector<1000x128xf32> -> vector<1000x128xf32>
    %add3A_21 = arith.addf %dot_general3A_15, %dot_general3A_20 : vector<1000x128xf32>
    %get3A_22 = arith.constant 0 : index
    %get3A_23 = arith.constant 0 : index
    %get3A_24 = vector.load %arg3[%get3A_22, %get3A_23] : memref<1000x128xf32, #tpu.memory_space<vmem>>, vector<1000x128xf32>
    %add3A_25 = arith.addf %add3A_21, %get3A_24 : vector<1000x128xf32>
    %mul3A = arith.constant 1.000000e-01 : f32
    %mul3A_26 = vector.broadcast %mul3A : f32 to vector<1000x128xf32>
    %mul3A_27 = arith.mulf %mul3A_26, %add3A_25 : vector<1000x128xf32>
    %max3A = arith.maximumf %add3A_25, %mul3A_27 : vector<1000x128xf32>
    %get3A_28 = arith.constant 0 : index
    %get3A_29 = arith.constant 0 : index
    %get3A_30 = vector.load %arg6[%get3A_28, %get3A_29] : memref<128x128xf32, #tpu.memory_space<vmem>>, vector<128x128xf32>
    %dot_general3A_31 = arith.constant dense<0.000000e+00> : vector<1000x128xf32>
    %dot_general3A_32 = tpu.matmul %max3A, %get3A_30, %dot_general3A_31 {dimension_numbers = #tpu.dot_dimension_numbers<[1], [0], [0], [1], [0, 0, 1, 1], [], []>, transpose_lhs_hint = false} : vector<1000x128xf32>, vector<128x128xf32>, vector<1000x128xf32> -> vector<1000x128xf32>
    %get3A_33 = arith.constant 0 : index
    %get3A_34 = arith.constant 0 : index
    %get3A_35 = vector.load %arg7[%get3A_33, %get3A_34] : memref<1x128xf32, #tpu.memory_space<vmem>>, vector<1x128xf32>
    %add3A_36 = vector.broadcast %get3A_35 : vector<1x128xf32> to vector<1000x128xf32>
    %add3A_37 = arith.addf %dot_general3A_32, %add3A_36 : vector<1000x128xf32>
    %swap3A = arith.constant 0 : index
    %swap3A_38 = arith.constant 0 : index
    %swap3A_39 = vector.load %arg8[%swap3A, %swap3A_38] : memref<1000x128xf32, #tpu.memory_space<vmem>>, vector<1000x128xf32>
    tpu.vector_store %arg8[%swap3A, %swap3A_38], %add3A_37 {strides = array<i32>} : memref<1000x128xf32, #tpu.memory_space<vmem>>, vector<1000x128xf32>,
    return
  }
  func.func @transform_0(%arg0: i32) -> (i32, i32) {
    %c0_i32 = arith.constant 0 : i32
    %c0_i32_0 = arith.constant 0 : i32
    return %arg0, %c0_i32 : i32, i32
  }
  func.func @transform_1(%arg0: i32) -> (i32, i32, i32) {
    %c0_i32 = arith.constant 0 : i32
    %c0_i32_0 = arith.constant 0 : i32
    %c0_i32_1 = arith.constant 0 : i32
    return %c0_i32, %arg0, %c0_i32_0 : i32, i32, i32
  }
  func.func @transform_2(%arg0: i32) -> (i32, i32) {
    %c0_i32 = arith.constant 0 : i32
    %c0_i32_0 = arith.constant 0 : i32
    return %arg0, %c0_i32 : i32, i32
  }
  func.func @transform_3(%arg0: i32) -> (i32, i32) {
    %c0_i32 = arith.constant 0 : i32
    %c0_i32_0 = arith.constant 0 : i32
    %c0_i32_1 = arith.constant 0 : i32
    return %c0_i32, %c0_i32_0 : i32, i32
  }
  func.func @transform_4(%arg0: i32) -> (i32, i32) {
    %c0_i32 = arith.constant 0 : i32
    %c0_i32_0 = arith.constant 0 : i32
    %c0_i32_1 = arith.constant 0 : i32
    return %c0_i32, %c0_i32_0 : i32, i32
  }
  func.func @transform_5(%arg0: i32) -> (i32, i32) {
    %c0_i32 = arith.constant 0 : i32
    %c0_i32_0 = arith.constant 0 : i32
    %c0_i32_1 = arith.constant 0 : i32
    return %c0_i32, %c0_i32_0 : i32, i32
  }
  func.func @transform_6(%arg0: i32) -> (i32, i32) {
    %c0_i32 = arith.constant 0 : i32
    %c0_i32_0 = arith.constant 0 : i32
    %c0_i32_1 = arith.constant 0 : i32
    return %c0_i32, %c0_i32_0 : i32, i32
  }
  func.func @transform_7(%arg0: i32) -> (i32, i32) {
    %c0_i32 = arith.constant 0 : i32
    %c0_i32_0 = arith.constant 0 : i32
    return %arg0, %c0_i32 : i32, i32
  }
}

</mosaic_0001>

<sc_bundles>
// kernel: kernel.6.cloned.1.call-start
scs
__scs_entry_jumppad:
0x0: {  	(pc) =	sbr.rel $0x88, $3  }
0x1: {  	(tag) =	ssettag $0x0;
	lr =	simm.s32 $0x1  }
0x2: {  	[smem:$0x3F93] =	sst lr;
	_ =	strace $0xD0000000  }
0x3: {  	_ = 	snop  }
0x4: {  	_ = 	snop  }
0x5: {  	_ = 	snop  }
0x6: {  	_ = 	snop  }
0x7: {  	_ = 	snop  }
__scs_overlays_trampoline_lowered:
0x8: {  	[smem:$0x3FA2] =	sst s0  }
0x9: {  	[smem:$0x3FA3] =	sst s1  }
0xa: {  	[smem:$0x3FA4] =	sst s2  }
0xb: {  	[smem:$0x3FA5] =	sst s3  }
0xc: {  	[smem:$0x3FA6] =	sst s4  }
0xd: {  	[smem:$0x3FA7] =	sst s5  }
0xe: {  	[smem:$0x3FA8] =	sst s6  }
0xf: {  	[smem:$0x3FA9] =	sst s7  }
0x10: {  	[smem:$0x3FAA] =	sst s8  }
0x11: {  	[smem:$0x3FAB] =	sst s9;
	s0 =	simm.s32 @!p0 $0x0  }
0x12: {  	s1 =	sld [smem:$0x3F91];
	s0 =	simm.s32 @p0 $0x1  }
0x13: {  	[smem:$0x3FAC] =	sst s0;
	s0 =	simm.s32 @!p1 $0x0  }
0x14: {  	s2 =	sld [smem:$0x3F90];
	s0 =	simm.s32 @p1 $0x1  }
0x15: {  	[smem:$0x3FAD] =	sst s0;
	s0 =	simm.s32 @!p2 $0x0  }
0x16: {  	s3 =	sld [smem:$0x3FDB];
	s0 =	simm.s32 @p2 $0x1  }
0x17: {  	s4 =	simm.s32 $0x1BF5;
	[smem:$0x3FAF] =	sst s0  }
0x18: {  	s0 =	sld [smem:$0x3F92];
	_ =	swait.ge [sflag:s4], $0x0  }
0x19: {  	s7 =	sld [smem:$0x3F93]  }
0x1a: {  	s8 =	sadd.s32 $0xFFFFE003, lr  }
0x1b: {  	s9 =	sadd.s32 $0xFFFFFEF7, lr;
	s5 =	simm.s32 $0xFFFFFFFF;
	p2 =	slt.u32 s8, $0xFFFFF086  }
0x1c: {  	p1 =	slt.u32 s9, $0xF7A;
	s5 =	simm.s32 @!p2 $0x0  }
0x1d: {  	s5 =	simm.s32 @p1 $0x1;
	p0 =	seq.s32 s7, s2  }
0x1e: {  	s7 =	smul.u32 @!p0 $0xF7A, s2;
	p2 =	seq.s32 @!p0 s5, $0x0  }
0x1f: {  	s9 =	smul.u32 $0xF7A, s1;
	s8 =	simm.s32 @!p0 $0x1BF5;
	p2 =	por !p2, p0  }
0x20: {  	[sflag:s8] =	ssyncset.s32 @!p0 $0xFFFFF086;
	s6 =	sadd.s32 @!p0 s3, s7;
	s7 =	simm.s32 @!p0 $0x108  }
0x21: {  	s3 =	sadd.s32 s3, s9;
	s6 =	sadd.s32 @!p0 $0x88, s6;
	s7 =	simm.s32 @p2 $0x1082  }
0x22: {  	[simem:s7], [sflag:s8] =	dma.local @!p0 [hbm:s6], $0xF7A  }
0x23: {  	s9 =	sor.u32 $0xD0000000, s2;
	s6 =	simm.s32 $0x108;
	_ =	swait.ge @!p0 [sflag:s8], $0x0  }
0x24: {  	s3 =	sadd.s32 $0x88, s3;
	s6 =	simm.s32 @!p1 $0x1082;
	[sflag:s4] =	ssyncset.s32 $0xFFFFF086  }
0x25: {  	[simem:s6], [sflag:s4] =	dma.local [hbm:s3], $0xF7A  }
0x26: {  	[smem:$0x3F93] =	sst s1;
	(tag) =	ssettag s2;
	_ =	strace s9  }
0x27: {  	s1 =	sld [smem:$0x3FA3]  }
0x28: {  	s2 =	sld [smem:$0x3FA4]  }
0x29: {  	s4 =	sld [smem:$0x3FA6]  }
0x2a: {  	p0 =	seq.s32 s5, $0x0;
	s5 =	sld [smem:$0x3FA7]  }
0x2b: {  	s6 =	sld [smem:$0x3FA8]  }
0x2c: {  	s7 =	sld [smem:$0x3FA9]  }
0x2d: {  	s3 =	simm.s32 $0x108;
	s8 =	sld [smem:$0x3FAA]  }
0x2e: {  	s3 =	simm.s32 @!p0 $0x1082;
	s9 =	sld [smem:$0x3FAB]  }
0x2f: {  	lr =	sadd.s32 s0, s3;
	s0 =	sld [smem:$0x3FA2]  }
0x30: {  	s3 =	sld [smem:$0x3FA5]  }
0x31: {  	[smem:$0x3FAE] =	sst s10  }
0x32: {  	s10 =	sld [smem:$0x3FAC];
	_ =	sdelay $0x3  }
0x33: {  	p0 =	seq.s32 s10, $0x1;
	s10 =	sld [smem:$0x3FAE];
	_ =	sdelay $0x3  }
0x34: {  	[smem:$0x3FAE] =	sst s10  }
0x35: {  	s10 =	sld [smem:$0x3FAD];
	_ =	sdelay $0x3  }
0x36: {  	p1 =	seq.s32 s10, $0x1;
	s10 =	sld [smem:$0x3FAE];
	_ =	sdelay $0x3  }
0x37: {  	[smem:$0x3FAE] =	sst s10  }
0x38: {  	s10 =	sld [smem:$0x3FAF]  }
0x39: {  	_ = 	snop;
	(pc) =	sbr.ind lr, $3  }
0x3a: {  	_ = 	snop  }
0x3b: {  	_ = 	snop  }
0x3c: {  	p2 =	seq.s32 s10, $0x1;
	s10 =	sld [smem:$0x3FAE]  }
0x3d: {  	_ =	shalt  }
0x3e: {  	_ =	shalt  }
0x3f: {  	_ =	shalt  }
0x40: {  	_ =	shalt  }
0x41: {  	_ =	shalt  }
0x42: {  	_ =	shalt  }
0x43: {  	_ =	shalt  }
0x44: {  	_ =	shalt  }
0x45: {  	_ =	shalt  }
0x46: {  	_ =	shalt  }
0x47: {  	_ =	shalt  }
0x48: {  	_ =	shalt  }
0x49: {  	_ =	shalt  }
0x4a: {  	_ =	shalt  }
0x4b: {  	_ =	shalt  }
0x4c: {  	_ =	shalt  }
0x4d: {  	_ =	shalt  }
0x4e: {  	_ =	shalt  }
0x4f: {  	_ =	shalt  }
0x50: {  	_ =	shalt  }
0x51: {  	_ =	shalt  }
0x52: {  	_ =	shalt  }
0x53: {  	_ =	shalt  }
0x54: {  	_ =	shalt  }
0x55: {  	_ =	shalt  }
0x56: {  	_ =	shalt  }
0x57: {  	_ =	shalt  }
0x58: {  	_ =	shalt  }
0x59: {  	_ =	shalt  }
0x5a: {  	_ =	shalt  }
0x5b: {  	_ =	shalt  }
0x5c: {  	_ =	shalt  }
0x5d: {  	_ =	shalt  }
0x5e: {  	_ =	shalt  }
0x5f: {  	_ =	shalt  }
0x60: {  	_ =	shalt  }
0x61: {  	_ =	shalt  }
0x62: {  	_ =	shalt  }
0x63: {  	_ =	shalt  }
0x64: {  	_ =	shalt  }
0x65: {  	_ =	shalt  }
0x66: {  	_ =	shalt  }
0x67: {  	_ =	shalt  }
0x68: {  	_ =	shalt  }
0x69: {  	_ =	shalt  }
0x6a: {  	_ =	shalt  }
0x6b: {  	_ =	shalt  }
0x6c: {  	_ =	shalt  }
0x6d: {  	_ =	shalt  }
0x6e: {  	_ =	shalt  }
0x6f: {  	_ =	shalt  }
0x70: {  	_ =	shalt  }
0x71: {  	_ =	shalt  }
0x72: {  	_ =	shalt  }
0x73: {  	_ =	shalt  }
0x74: {  	_ =	shalt  }
0x75: {  	_ =	shalt  }
0x76: {  	_ =	shalt  }
0x77: {  	_ =	shalt  }
0x78: {  	_ =	shalt  }
0x79: {  	_ =	shalt  }
0x7a: {  	_ =	shalt  }
0x7b: {  	_ =	shalt  }
0x7c: {  	_ =	shalt  }
0x7d: {  	_ =	shalt  }
0x7e: {  	_ =	shalt  }
0x7f: {  	_ =	shalt  }
0x80: {  	_ =	shalt  }
0x81: {  	_ =	shalt  }
0x82: {  	_ =	shalt  }
0x83: {  	_ =	shalt  }
0x84: {  	_ =	shalt  }
0x85: {  	_ =	shalt  }
0x86: {  	_ =	shalt  }
0x87: {  	_ =	shalt  }
.Lfunc_end0:
.L_simem_size_0:
called_computation_lowered:
.L_overlay_start_0:
0x88: {  	s2 =	sld [smem:$0x3FD9]  }
0x89: {  	s3 =	sld [smem:$0x3FFE];
	_ =	sdelay $0x1  }
0x8a: {  	s1 =	srdreg.scid  }
0x8b: {  	s0 =	sand.u32 $0x1, s1  }
0x8c: {  	s16 =	sshll.u32 s0, $0xA;
	s2 =	sadd.s32 s3, s2  }
0x8d: {  	s2 =	sadd.s32 s2, s16  }
0x8e: {  	[smem:$0x3FBA] =	sst s2  }
0x8f: {  	_ = 	snop  }
0x90: {  	(tm) =	ssettm $0x1  }
0x91: {  	s17 =	sld [smem:$0x3FFB];
	_ =	sdelay $0x3  }
0x92: {  	_ =	strace s17  }
0x93: {  	s2 =	sld [smem:$0x3FFC];
	_ =	sdelay $0x3  }
0x94: {  	_ =	strace s2  }
0x95: {  	s2 =	sld [smem:$0x3FFD];
	_ =	sdelay $0x3  }
0x96: {  	_ =	strace s2  }
0x97: {  	_ =	strace $0x8FFFFFFF  }
0x98: {  	s18 =	sld [smem:$0x3FDB];
	_ =	sdelay $0x1  }
0x99: {  	s19 =	simm.s32 $_scs_section_size  }
0x9a: {  	s4 =	simm.s32 $_size__tile_overlayer_lowered;
	s5 =	simm.s32 $_tile_overlayer_lowered  }
0x9b: {  	s22 =	simm.s32 $0x1BFF;
	s21 =	sshll.u32 s5, $0x1;
	s2 =	sadd.s32 s19, s18  }
0x9c: {  	s6 =	simm.s32 $0x0;
	s20 =	sshll.u32 s4, $0x1;
	s4 =	sadd.s32 s21, s2  }
0x9d: {  	[timem:s6], [sflag:s22] =	dma.local [hbm:s4], s20  }
0x9e: {  	_ =	swait.ge [sflag:s22], s20  }
0x9f: {  	s3 =	ssub.s32 $0x0, s20;
	[sflag:s22] =	ssyncset.done $0x0  }
0xa0: {  	[sflag:s22] =	ssyncadd.s32 s3;
	_ =	sdelay $0x1  }
0xa1: {  	s23 =	simm.s32 $0x1B8B  }
0xa2: {  	_ =	swait.ge [sflag:s23], $0x1  }
0xa3: {  	[sflag:s23] =	ssyncset.done $0x0  }
0xa4: {  	s25 =	simm.s32 $0x1B8E;
	s24 =	sld [smem:$0x3FFE];
	[sflag:s23] =	ssyncadd.s32 $0xFFFFFFFF  }
0xa5: {  	s26 =	simm.s32 $execute0_lowered;
	[smem:$0x3FD2] =	sst s25  }
0xa6: {  	s4 =	sshll.u32 s26, $0x1;
	_ =	strace $0x80000046;
	[dreg:$0x1] =	wrdreg $0xFFFFFFFF  }
0xa7: {  	s28 =	simm.s32 $_size_execute0_lowered;
	s2 =	sadd.s32 s2, s4;
	[dreg:$0x0] =	wrdreg $0x0  }
0xa8: {  	s4 =	sshll.u32 s28, $0x1;
	[dreg:$0x2] =	wrdreg s2  }
0xa9: {  	[dreg:$0x3] =	wrdreg s4  }
0xaa: {  	[dreg:$0x4] =	wrdreg $0xC0  }
0xab: {  	_ =	task [dreg:s6], $0x5FFFF  }
0xac: {  	[dreg:$0x1] =	wrdreg $0xFFFFFFFF  }
0xad: {  	[dreg:$0x0] =	wrdreg $0x60  }
0xae: {  	[dreg:$0x2] =	wrdreg s24  }
0xaf: {  	[dreg:$0x3] =	wrdreg $0x6EA00  }
0xb0: {  	[dreg:$0x4] =	wrdreg $0x9  }
0xb1: {  	_ =	task.clear_ibuf [dreg:s6], $0x5FFFF;
	_ =	strace $0x90000046  }
0xb2: {  	s29 =	simm.s32 $0x9;
	_ =	strace $0x80000048  }
0xb3: {  	_ =	swait.ge [sflag:s29], $0x1  }
0xb4: {  	[sflag:s29] =	ssyncadd.s32 $0xFFFFFFFF  }
0xb5: {  	_ =	strace $0x90000048  }
0xb6: {  	_ =	sfence  }
0xb7: {  	s30 =	sld [smem:$0x0];
	_ =	sdelay $0x2  }
0xb8: {  	s31 =	sshll.u32 s1, $0xD;
	s1 =	sshrl.u32 s1, $0x2  }
0xb9: {  	s3 =	sand.u32 $0x4000, s31;
	s1 =	sadd.s32 s1, s30  }
0xba: {  	s0 =	sor.u32 s3, s0;
	s1 =	sshll.u32 s1, $0x11  }
0xbb: {  	s0 =	sor.u32 s1, s0  }
0xbc: {  	s0 =	sadd.s32 $0x8F2B, s0  }
0xbd: {  	[sflag:s0] =	ssyncadd.remote.s32 $0x1  }
0xbe: {  	_ =	sfence.sel $0xFFFF  }
0xbf: {  	[dreg:$0x0] =	wrdreg $0xFFFFFFFF;
	(pc) =	sbr.abs _section_cstart, $3  }
0xc0: {  	[dreg:$0x1] =	wrdreg $0xFFFFFFFF  }
0xc1: {  	_ =	task.clear_ibuf [dreg:s6], $0x2FFFF;
	_ =	strace $0x9FFFFFFF  }
0xc2: {  	(tm) =	ssettm $0x7FFFFFFF  }
0xc3: {  	_ =	shalt  }
tec
execute0_lowered:
.L_overlay_start_1:
0x0: {  	(tag) =	ssettag $0x1  }
0x1: {  	s0 =	srdreg.scid  }
0x2: {  	s7 =	rddreg [dreg:$0x0];
	s1 =	simm.s32 $0x0;
	s28 =	stileid.u32  }
0x3: {  	s6 =	sand.u32 $0x1, s0;
	[smem:$0x7FF] =	sst s1;
	s8 =	sadd.s32 $0x47400, s7  }
0x4: {  	s10 =	sor.u32 $0x10, s28;
	s18 =	sor.u32 $0x40, s28;
	s9 =	smul.u32 $0x186A00, s6  }
0x5: {  	s19 =	sor.u32 $0x50, s28;
	s0 =	ssub.s32 $0x2, s6;
	s22 =	smul.u32 $0x3200, s18  }
0x6: {  	s11 =	sor.u32 $0x20, s28;
	s23 =	smul.u32 $0x3200, s19;
	s2 =	sshrl.u32 s0, $0x1  }
0x7: {  	s17 =	sor.u32 $0x30, s28;
	s3 =	ssub.s32 s0, s2;
	s0 =	smul.u32 $0x3200, s28  }
0x8: {  	s20 =	sor.u32 $0x60, s28;
	s21 =	sor.u32 $0x70, s28;
	s2 =	smul.u32 $0x3200, s10  }
0x9: {  	p0 =	sgt.u32 s28, $0xC;
	s24 =	smul.u32 $0x3200, s20;
	s6 =	sshll.u32 s6, $0x4  }
0xa: {  	s6 =	sor.u32 s28, s6;
	s4 =	sadd.s32 s0, s9;
	s12 =	sadd.s32 s9, s2  }
0xb: {  	s5 =	sshrl.u32 s4, $0x3;
	s4 =	smul.u32 $0x3200, s11;
	s12 =	sshrl.u32 s12, $0x3  }
0xc: {  	s25 =	sadd.s32 s9, s22;
	s5 =	sadd.s32 s8, s5;
	s12 =	sadd.s32 s8, s12  }
0xd: {  	[dreg:$0x3] =	wrdreg s5;
	s5 =	smul.u32 $0x3200, s17;
	s13 =	sadd.s32 s9, s4  }
0xe: {  	s26 =	sadd.s32 s9, s23;
	[dreg:$0x4] =	wrdreg s12;
	s13 =	sshrl.u32 s13, $0x3  }
0xf: {  	s14 =	sadd.s32 s9, s5;
	s15 =	sadd.s32 s8, s13;
	s13 =	sshrl.u32 s25, $0x3  }
0x10: {  	[dreg:$0x5] =	wrdreg s15;
	s16 =	sshrl.u32 s14, $0x3;
	s13 =	sadd.s32 s8, s13  }
0x11: {  	s14 =	sshrl.u32 s26, $0x3;
	s12 =	sadd.s32 s8, s16;
	[dreg:$0x7] =	wrdreg s13  }
0x12: {  	s26 =	smul.u32 $0x3200, s21;
	s14 =	sadd.s32 s8, s14;
	[dreg:$0x6] =	wrdreg s12  }
0x13: {  	s25 =	smul.u32 $0xC800, s28;
	s15 =	sadd.s32 s9, s24;
	[dreg:$0x8] =	wrdreg s14  }
0x14: {  	s16 =	sadd.s32 s9, s26;
	s12 =	sshrl.u32 s15, $0x3;
	s14 =	sadd.s32 $0x33800, s7  }
0x15: {  	s15 =	sadd.s32 $0x9CB400, s7;
	s13 =	sshrl.u32 s16, $0x3;
	s12 =	sadd.s32 s8, s12  }
0x16: {  	s16 =	sadd.s32 $0x2A00, s7;
	[dreg:$0x9] =	wrdreg s12;
	s8 =	sadd.s32 s8, s13  }
0x17: {  	s12 =	sadd.s32 $0x3D600, s7;
	s13 =	sadd.s32 $0x4E4A00, s7;
	s7 =	smul.u32 $0xC800, s11  }
0x18: {  	s3 =	smax.u32 s3, $0x1;
	s9 =	rddreg [dreg:$0x1];
	s11 =	smul.u32 $0xC800, s17  }
0x19: {  	s0 =	sadd.s32 s0, s9;
	s29 =	sadd.s32 s4, s9;
	s17 =	smul.u32 $0xC800, s19  }
0x1a: {  	s30 =	sadd.s32 s5, s9;
	s31 =	sadd.s32 s22, s9;
	s19 =	smul.u32 $0xC800, s20  }
0x1b: {  	s4 =	simm.s32 $0xFA0;
	[dreg:$0xa] =	wrdreg s8;
	s8 =	smul.u32 $0xC800, s10  }
0x1c: {  	s5 =	simm.s32 $0x4;
	s10 =	sshrl.u32 s25, $0x2;
	s25 =	smul.u32 $0xC800, s18  }
0x1d: {  	_ =	strace $0x80000047;
	s10 =	sadd.s32 s10, s9;
	s7 =	sshrl.u32 s7, $0x2  }
0x1e: {  	s18 =	sshrl.u32 s11, $0x2;
	s17 =	sshrl.u32 s17, $0x2;
	[dreg:$0x13] =	wrdreg s0  }
0x1f: {  	s0 =	sadd.s32 s24, s9;
	s11 =	simm.s32 $0x1;
	[dreg:$0xb] =	wrdreg s10  }
0x20: {  	s8 =	sshrl.u32 s8, $0x2;
	s7 =	sadd.s32 s7, s9;
	s20 =	sshrl.u32 s25, $0x2  }
0x21: {  	s25 =	smul.u32 $0xC800, s21;
	s21 =	sadd.s32 s2, s9;
	[dreg:$0xd] =	wrdreg s7  }
0x22: {  	s2 =	sadd.s32 s26, s9;
	s8 =	sadd.s32 s8, s9;
	[dreg:$0x14] =	wrdreg s21  }
0x23: {  	s10 =	simm.s32 $0x69A0;
	s7 =	sadd.s32 s18, s9;
	[dreg:$0xc] =	wrdreg s8  }
0x24: {  	s18 =	sshrl.u32 s19, $0x2;
	[dreg:$0xe] =	wrdreg s7;
	s7 =	sadd.s32 s20, s9  }
0x25: {  	s19 =	sadd.s32 s18, s9;
	s20 =	sshrl.u32 s25, $0x2;
	s25 =	smul.u32 $0x2710, s6  }
0x26: {  	s6 =	simm.s32 $0x50;
	s8 =	simm.s32 $0x41A0;
	[dreg:$0xf] =	wrdreg s7  }
0x27: {  	s18 =	simm.s32 $0x3;
	s7 =	sadd.s32 s17, s9;
	[dreg:$0x11] =	wrdreg s19  }
0x28: {  	s17 =	simm.s32 $0x2;
	[dreg:$0x10] =	wrdreg s7;
	s7 =	sadd.s32 s20, s9  }
0x29: {  	v0 =	vimm.f32 $0.0e+00;
	s19 =	simm.s32 $0x0;
	[dreg:$0x12] =	wrdreg s7;
	s7 =	sadd.s32 s23, s9  }
.LBB2_1:
0x2a: {  	s20 =	simm.s32 $0x0;
	s21 =	simm.s32 $0x280  }
.LBB2_2:
0x2b: {  	p1 =	sne.s32 s21, $0xC580;
	[tilespmem:s20+$0x1030] =	vst v0  }
0x2c: {  	[tilespmem:s20+$0xFA0] =	vst v0  }
0x2d: {  	[tilespmem:s20+$0xFB0] =	vst v0  }
0x2e: {  	[tilespmem:s20+$0xFC0] =	vst v0  }
0x2f: {  	[tilespmem:s20+$0xFD0] =	vst v0  }
.Ltmp0:
0x30: {  	[tilespmem:s20+$0xFE0] =	vst v0;
	(pc) =	sbr.rel @p1 .LBB2_2-.Ltmp0, $4  }
0x31: {  	[tilespmem:s20+$0xFF0] =	vst v0  }
0x32: {  	[tilespmem:s20+$0x1000] =	vst v0  }
0x33: {  	[tilespmem:s20+$0x1010] =	vst v0  }
0x34: {  	[tilespmem:s20+$0x1020] =	vst v0;
	s20 =	sshra.s32 s21, $0x2;
	s21 =	sadd.s32 $0x280, s21  }
0x35: {  	[tilespmem:s20+$0x1030] =	vst v0  }
0x36: {  	[tilespmem:s20+$0xFA0] =	vst v0  }
0x37: {  	[tilespmem:s20+$0xFB0] =	vst v0  }
0x38: {  	[tilespmem:s20+$0xFC0] =	vst v0  }
0x39: {  	[tilespmem:s20+$0xFD0] =	vst v0  }
0x3a: {  	[tilespmem:s20+$0xFE0] =	vst v0  }
0x3b: {  	[tilespmem:s20+$0xFF0] =	vst v0  }
0x3c: {  	[tilespmem:s20+$0x1000] =	vst v0  }
0x3d: {  	[tilespmem:s20+$0x1010] =	vst v0  }
0x3e: {  	[tilespmem:s20+$0x1020] =	vst v0;
	s28 =	rddreg [dreg:$0xb]  }
0x3f: {  	[spmem:s28] =	stream.linear.scatter [tilespmem:s4], [sflag:$0x4], $0x3200, $0x38;
	[tilespmem:$0x1F540] =	vst v63  }
0x40: {  	_ =	swait.ge [sflag:s5], $0x3200  }
0x41: {  	[sflag:s5] =	ssyncset.done $0x0  }
0x42: {  	s21 =	rddreg [dreg:$0xc];
	[sflag:s5] =	ssyncadd.s32 $0xFFFFCE00  }
0x43: {  	[spmem:s21] =	stream.linear.scatter [tilespmem:s4], [sflag:$0x4], $0x3200, $0x38;
	[tilespmem:$0x1F540] =	vst v63  }
0x44: {  	_ =	swait.ge [sflag:s5], $0x3200  }
0x45: {  	[sflag:s5] =	ssyncset.done $0x0  }
0x46: {  	s22 =	rddreg [dreg:$0xd];
	[sflag:s5] =	ssyncadd.s32 $0xFFFFCE00  }
0x47: {  	[spmem:s22] =	stream.linear.scatter [tilespmem:s4], [sflag:$0x4], $0x3200, $0x38;
	[tilespmem:$0x1F540] =	vst v63  }
0x48: {  	_ =	swait.ge [sflag:s5], $0x3200  }
0x49: {  	[sflag:s5] =	ssyncset.done $0x0  }
0x4a: {  	s23 =	rddreg [dreg:$0xe];
	[sflag:s5] =	ssyncadd.s32 $0xFFFFCE00  }
0x4b: {  	[spmem:s23] =	stream.linear.scatter [tilespmem:s4], [sflag:$0x4], $0x3200, $0x38;
	[tilespmem:$0x1F540] =	vst v63  }
0x4c: {  	_ =	swait.ge [sflag:s5], $0x3200  }
0x4d: {  	[sflag:s5] =	ssyncset.done $0x0  }
0x4e: {  	s24 =	rddreg [dreg:$0xf];
	[sflag:s5] =	ssyncadd.s32 $0xFFFFCE00  }
0x4f: {  	[spmem:s24] =	stream.linear.scatter [tilespmem:s4], [sflag:$0x4], $0x3200, $0x38;
	[tilespmem:$0x1F540] =	vst v63  }
0x50: {  	_ =	swait.ge [sflag:s5], $0x3200  }
0x51: {  	[sflag:s5] =	ssyncset.done $0x0  }
0x52: {  	s26 =	rddreg [dreg:$0x10];
	[sflag:s5] =	ssyncadd.s32 $0xFFFFCE00  }
0x53: {  	[spmem:s26] =	stream.linear.scatter [tilespmem:s4], [sflag:$0x4], $0x3200, $0x38;
	[tilespmem:$0x1F540] =	vst v63  }
0x54: {  	_ =	swait.ge [sflag:s5], $0x3200  }
0x55: {  	[sflag:s5] =	ssyncset.done $0x0  }
0x56: {  	s28 =	rddreg [dreg:$0x11];
	[sflag:s5] =	ssyncadd.s32 $0xFFFFCE00  }
0x57: {  	[spmem:s28] =	stream.linear.scatter [tilespmem:s4], [sflag:$0x4], $0x3200, $0x38;
	[tilespmem:$0x1F540] =	vst v63  }
0x58: {  	_ =	swait.ge [sflag:s5], $0x3200  }
0x59: {  	[sflag:s5] =	ssyncset.done $0x0  }
0x5a: {  	s20 =	simm.s32 @!p0 $0xFA0;
	s21 =	rddreg [dreg:$0x12];
	[sflag:s5] =	ssyncadd.s32 $0xFFFFCE00  }
0x5b: {  	[spmem:s21] =	stream.linear.scatter @!p0 [tilespmem:s20], [sflag:$0x4], $0x3200, $0x38;
	[tilespmem:$0x1F540] =	vst v63  }
0x5c: {  	s20 =	simm.s32 @!p0 $0x4  }
0x5d: {  	_ =	swait.ge @!p0 [sflag:s20], $0x3200  }
0x5e: {  	[sflag:s20] =	ssyncset.done @!p0 $0x0  }
0x5f: {  	[sflag:s20] =	ssyncadd.s32 @!p0 $0xFFFFCE00  }
0x60: {  	s20 =	simm.s32 $0x0;
	[bflag:$0x0] =	sbarrier.arrive $0xFFFF  }
.LBB2_4:
0x61: {  	s21 =	smul.u32 $0x29, s20;
	_ =	sdelay $0x1  }
0x62: {  	s21 =	sshrl.u32 s21, $0xA  }
0x63: {  	s21 =	sand.u32 $0x3F, s21  }
0x64: {  	s21 =	smul.u32 $0x19, s21;
	_ =	sdelay $0x1  }
0x65: {  	s22 =	smul.u32 $0x50, s20;
	s21 =	ssub.s32 s20, s21  }
0x66: {  	s21 =	sand.u32 $0xFF, s21  }
0x67: {  	s22 =	sadd.s32 s25, s22;
	p1 =	sne.s32 s21, $0x0  }
0x68: {  	s23 =	sshrl.u32 @!p1 s22, $0x3  }
0x69: {  	s26 =	simm.s32 @!p1 $0x0;
	s24 =	sadd.s32 @!p1 s12, s23  }
0x6a: {  	[tilespmem:s26], [sflag:$0x4] =	stream.linear.gather @!p1 [hbm4b:s24+s26], $0x7D0, $0x38;
	[tilespmem:$0x1F540] =	vst v63  }
0x6b: {  	s24 =	simm.s32 @!p1 $0x4  }
0x6c: {  	_ =	swait.ge @!p1 [sflag:s24], $0x7D0  }
0x6d: {  	[sflag:s24] =	ssyncset.done @!p1 $0x0  }
0x6e: {  	s28 =	simm.s32 @!p1 $0x7D0;
	s23 =	sadd.s32 @!p1 s14, s23;
	[sflag:s24] =	ssyncadd.s32 @!p1 $0xFFFFF830  }
0x6f: {  	[tilespmem:s28], [sflag:$0x4] =	stream.linear.gather @!p1 [hbm4b:s23+s26], $0x7D0, $0x38;
	[tilespmem:$0x1F540] =	vst v63  }
0x70: {  	_ =	swait.ge @!p1 [sflag:s24], $0x7D0  }
0x71: {  	s21 =	smul.u32 $0x50, s21;
	[sflag:s24] =	ssyncset.done @!p1 $0x0  }
0x72: {  	s26 =	sshll.u32 s22, $0x4;
	[sflag:s24] =	ssyncadd.s32 @!p1 $0xFFFFF830  }
0x73: {  	[tilespmem:s4], [sflag:$0x1] =	stream.indirect.gather [hbm4b:s16+s6], $0xA0, s21, s6, $0xb8;
	[tilespmem:$0x1F540] =	vst v63  }
0x74: {  	s22 =	sshll.u32 s22, $0x1;
	s23 =	sadd.s32 s13, s26  }
0x75: {  	[tilespmem:s8], [sflag:$0x2] =	stream.linear.gather [hbm4b:s23+s1], $0x2800, $0x38;
	[tilespmem:$0x1F540] =	vst v63  }
0x76: {  	s22 =	sadd.s32 s15, s22  }
0x77: {  	[tilespmem:s10], [sflag:$0x3] =	stream.linear.gather [hbm4b:s22+s1], $0x500, $0x38;
	[tilespmem:$0x1F540] =	vst v63  }
0x78: {  	_ =	swait.ge [sflag:s11], $0x3200  }
0x79: {  	[sflag:s11] =	ssyncset.done $0x0  }
0x7a: {  	[sflag:s11] =	ssyncadd.s32 $0xFFFFCE00  }
0x7b: {  	_ =	swait.ge [sflag:s17], $0x2800  }
0x7c: {  	[sflag:s17] =	ssyncset.done $0x0  }
0x7d: {  	[sflag:s17] =	ssyncadd.s32 $0xFFFFD800  }
0x7e: {  	_ =	swait.ge [sflag:s18], $0x500  }
0x7f: {  	[sflag:s18] =	ssyncset.done $0x0  }
0x80: {  	s22 =	simm.s32 $0x1040;
	[sflag:s18] =	ssyncadd.s32 $0xFFFFFB00  }
0x81: {  	s23 =	simm.s32 $0x69B0;
	v6 =	vld [tilespmem:s22+$0x80]  }
0x82: {  	v7 =	vld [tilespmem:s23+$0x0]  }
0x83: {  	v8 =	vld [tilespmem:s22+$0xFFFFFF70]  }
0x84: {  	s24 =	simm.s32 $0x4220;
	v9 =	vld [tilespmem:s22+$0xFFFFFF80]  }
0x85: {  	v10 =	vld [tilespmem:s24+$0x0]  }
0x86: {  	v12 =	vld [tilespmem:s24+$0x10]  }
0x87: {  	v15 =	vld [tilespmem:s24+$0x20]  }
0x88: {  	v18 =	vld [tilespmem:s24+$0x30]  }
0x89: {  	v5 =	vld [tilespmem:s24+$0x40]  }
0x8a: {  	v4 =	vld [tilespmem:s24+$0x50]  }
0x8b: {  	v3 =	vld [tilespmem:s24+$0x60]  }
0x8c: {  	v2 =	vld [tilespmem:s24+$0x70]  }
0x8d: {  	v1 =	vld [tilespmem:s24+$0xFFFFFF80]  }
0x8e: {  	v11 =	vld [tilespmem:s24+$0xFFFFFF90]  }
0x8f: {  	v13 =	vld [tilespmem:s24+$0xFFFFFFA0]  }
0x90: {  	v14 =	vld [tilespmem:s22+$0xFFFFFF90]  }
0x91: {  	v16 =	vld [tilespmem:s24+$0xFFFFFFB0]  }
0x92: {  	v17 =	vld [tilespmem:s22+$0xFFFFFFA0]  }
0x93: {  	v19 =	vld [tilespmem:s24+$0xFFFFFFC0]  }
0x94: {  	v20 =	vld [tilespmem:s22+$0xFFFFFFB0]  }
0x95: {  	v21 =	vld [tilespmem:s24+$0xFFFFFFD0]  }
0x96: {  	v22 =	vld [tilespmem:s24+$0xFFFFFFE0];
	v6 =	vadd.f32 v7, v6  }
0x97: {  	v7 =	vld [tilespmem:s22+$0xFFFFFFC0]  }
0x98: {  	v8 =	vadd.f32 v11, v8;
	v11 =	vld [tilespmem:s22+$0xFFFFFFD0];
	v23 =	vmul.f32 $1.000000010e-01, v6  }
0x99: {  	v9 =	vadd.f32 v13, v9;
	v13 =	vld [tilespmem:s24+$0xFFFFFFF0]  }
0x9a: {  	v14 =	vadd.f32 v16, v14;
	v16 =	vld [tilespmem:s22+$0xFFFFFFE0];
	v59 =	vmul.f32 $1.000000010e-01, v8;
	v6 =	vmax.f32 v6, v23  }
0x9b: {  	v17 =	vadd.f32 v19, v17;
	v19 =	vld [tilespmem:s23+$0xFFFFFFF0];
	[tilespmem:s22+$0x80] =	vst v6;
	v6 =	vmul.f32 $1.000000010e-01, v9  }
0x9c: {  	v61 =	vld [tilespmem:s22+$0x0];
	v20 =	vadd.f32 v21, v20;
	v60 =	vmul.f32 $1.000000010e-01, v14;
	v8 =	vmax.f32 v8, v59  }
0x9d: {  	[tilespmem:s22+$0xFFFFFF70] =	vst v8;
	v8 =	vmul.f32 $1.000000010e-01, v17;
	v7 =	vadd.f32 v22, v7;
	v6 =	vmax.f32 v9, v6;
	v9 =	vld [tilespmem:s22+$0x10]  }
0x9e: {  	v62 =	vld [tilespmem:s22+$0x20];
	v14 =	vmax.f32 v14, v60;
	v13 =	vadd.f32 v13, v11;
	[tilespmem:s22+$0xFFFFFF80] =	vst v6;
	v6 =	vmul.f32 $1.000000010e-01, v20  }
0x9f: {  	v63 =	vld [tilespmem:s22+$0x30];
	[tilespmem:s22+$0xFFFFFF90] =	vst v14;
	v8 =	vmax.f32 v17, v8;
	v14 =	vmul.f32 $1.000000010e-01, v7  }
0xa0: {  	v11 =	vld [tilespmem:s22+$0x40];
	v17 =	vadd.f32 v19, v16;
	[tilespmem:s22+$0xFFFFFFA0] =	vst v8;
	v8 =	vmul.f32 $1.000000010e-01, v13;
	v6 =	vmax.f32 v20, v6  }
0xa1: {  	[tilespmem:s22+$0xFFFFFFB0] =	vst v6;
	v6 =	vmax.f32 v7, v14;
	v14 =	vadd.f32 v10, v61;
	v10 =	vld [tilespmem:s22+$0x50]  }
0xa2: {  	v19 =	vmul.f32 $1.000000010e-01, v17;
	[tilespmem:s22+$0xFFFFFFC0] =	vst v6;
	v6 =	vmax.f32 v13, v8;
	v13 =	vadd.f32 v12, v9;
	v8 =	vld [tilespmem:s22+$0x60]  }
0xa3: {  	v7 =	vld [tilespmem:s22+$0x70];
	v9 =	vadd.f32 v15, v62;
	v16 =	vmul.f32 $1.000000010e-01, v14  }
0xa4: {  	s28 =	simm.s32 $0x1180;
	s26 =	simm.s32 $0x0;
	v17 =	vmax.f32 v17, v19;
	v12 =	vadd.f32 v18, v63;
	[tilespmem:s22+$0xFFFFFFD0] =	vst v6;
	v6 =	vld [tilespmem:s22+$0xFFFFFF60];
	v15 =	vmul.f32 $1.000000010e-01, v13  }
.LBB2_5:
0xa5: {  	v18 =	vld [tilespmem:s28+$0x80];
	[tilespmem:s22+$0xFFFFFFE0] =	vst v17;
	v5 =	vadd.f32 v5, v11;
	v11 =	vmax.f32 v14, v16;
	v14 =	vmul.f32 $1.000000010e-01, v9;
	s23 =	sadd.s32 $0x20, s23  }
0xa6: {  	s26 =	sadd.s32 $0x2, s26;
	v16 =	vld [tilespmem:s23+$0x0];
	v4 =	vadd.f32 v4, v10;
	[tilespmem:s22+$0x0] =	vst v11;
	v10 =	vmax.f32 v13, v15;
	v11 =	vmul.f32 $1.000000010e-01, v12  }
0xa7: {  	p1 =	slt.u32 s26, $0x4E;
	v13 =	vld [tilespmem:s28+$0xFFFFFF70];
	v3 =	vadd.f32 v3, v8;
	[tilespmem:s22+$0x10] =	vst v10;
	v8 =	vmax.f32 v9, v14;
	v9 =	vmul.f32 $1.000000010e-01, v5  }
0xa8: {  	s24 =	sadd.s32 $0x100, s24;
	v10 =	vld [tilespmem:s28+$0xFFFFFF80];
	v2 =	vadd.f32 v2, v7;
	[tilespmem:s22+$0x20] =	vst v8;
	v7 =	vmax.f32 v12, v11;
	v8 =	vmul.f32 $1.000000010e-01, v4  }
0xa9: {  	v12 =	vld [tilespmem:s24+$0x0];
	v1 =	vadd.f32 v1, v6;
	[tilespmem:s22+$0x30] =	vst v7;
	v5 =	vmax.f32 v5, v9;
	v6 =	vmul.f32 $1.000000010e-01, v3  }
0xaa: {  	v7 =	vld [tilespmem:s24+$0x10];
	[tilespmem:s22+$0x40] =	vst v5;
	v4 =	vmax.f32 v4, v8;
	v5 =	vmul.f32 $1.000000010e-01, v2  }
0xab: {  	v9 =	vld [tilespmem:s24+$0x20];
	v8 =	vadd.f32 v16, v18;
	v11 =	vmul.f32 $1.000000010e-01, v1;
	[tilespmem:s22+$0x50] =	vst v4;
	v3 =	vmax.f32 v3, v6  }
0xac: {  	v15 =	vld [tilespmem:s24+$0x30];
	[tilespmem:s22+$0x60] =	vst v3;
	v2 =	vmax.f32 v2, v5  }
0xad: {  	v5 =	vld [tilespmem:s24+$0x40];
	v6 =	vmul.f32 $1.000000010e-01, v8;
	v1 =	vmax.f32 v1, v11;
	[tilespmem:s22+$0x70] =	vst v2  }
0xae: {  	v4 =	vld [tilespmem:s24+$0x50];
	[tilespmem:s22+$0xFFFFFF60] =	vst v1;
	s22 =	smov.u32 s28  }
0xaf: {  	v3 =	vld [tilespmem:s24+$0x60];
	v1 =	vmax.f32 v8, v6  }
0xb0: {  	v2 =	vld [tilespmem:s24+$0x70];
	[tilespmem:s28+$0x80] =	vst v1  }
0xb1: {  	v1 =	vld [tilespmem:s24+$0xFFFFFF80]  }
0xb2: {  	v6 =	vld [tilespmem:s24+$0xFFFFFF90]  }
0xb3: {  	v8 =	vld [tilespmem:s24+$0xFFFFFFA0]  }
0xb4: {  	v11 =	vld [tilespmem:s28+$0xFFFFFF90]  }
0xb5: {  	v14 =	vld [tilespmem:s24+$0xFFFFFFB0]  }
0xb6: {  	v16 =	vld [tilespmem:s28+$0xFFFFFFA0]  }
0xb7: {  	v6 =	vadd.f32 v6, v13;
	v13 =	vld [tilespmem:s24+$0xFFFFFFC0]  }
0xb8: {  	v8 =	vadd.f32 v8, v10;
	v10 =	vld [tilespmem:s28+$0xFFFFFFB0]  }
0xb9: {  	v17 =	vld [tilespmem:s24+$0xFFFFFFD0];
	v18 =	vmul.f32 $1.000000010e-01, v6  }
0xba: {  	v11 =	vadd.f32 v14, v11;
	v14 =	vld [tilespmem:s28+$0xFFFFFFC0];
	v19 =	vmul.f32 $1.000000010e-01, v8  }
0xbb: {  	v20 =	vld [tilespmem:s24+$0xFFFFFFE0];
	v6 =	vmax.f32 v6, v18  }
0xbc: {  	v13 =	vadd.f32 v13, v16;
	v16 =	vld [tilespmem:s28+$0xFFFFFFD0];
	v8 =	vmax.f32 v8, v19;
	v18 =	vmul.f32 $1.000000010e-01, v11  }
0xbd: {  	v19 =	vld [tilespmem:s24+$0xFFFFFFF0]  }
0xbe: {  	v10 =	vadd.f32 v17, v10;
	v17 =	vld [tilespmem:s28+$0xFFFFFFE0];
	v11 =	vmax.f32 v11, v18;
	v18 =	vmul.f32 $1.000000010e-01, v13  }
0xbf: {  	v21 =	vld [tilespmem:s23+$0xFFFFFFF0];
	[tilespmem:s28+$0xFFFFFF70] =	vst v6  }
0xc0: {  	v6 =	vadd.f32 v20, v14;
	[tilespmem:s28+$0xFFFFFF80] =	vst v8;
	v8 =	vmax.f32 v13, v18;
	v13 =	vmul.f32 $1.000000010e-01, v10;
	v14 =	vld [tilespmem:s28+$0x0]  }
0xc1: {  	[tilespmem:s28+$0xFFFFFF90] =	vst v11;
	v18 =	vld [tilespmem:s28+$0x10]  }
0xc2: {  	v16 =	vadd.f32 v19, v16;
	[tilespmem:s28+$0xFFFFFFA0] =	vst v8;
	v8 =	vmax.f32 v10, v13;
	v10 =	vmul.f32 $1.000000010e-01, v6;
	v19 =	vld [tilespmem:s28+$0x20]  }
0xc3: {  	[tilespmem:s28+$0xFFFFFFB0] =	vst v8;
	v20 =	vld [tilespmem:s28+$0x30]  }
.Ltmp1:
0xc4: {  	v17 =	vadd.f32 v21, v17;
	v6 =	vmax.f32 v6, v10;
	v8 =	vmul.f32 $1.000000010e-01, v16;
	v11 =	vld [tilespmem:s28+$0x40];
	(pc) =	sbr.rel @p1 .LBB2_5-.Ltmp1, $4  }
0xc5: {  	[tilespmem:s28+$0xFFFFFFC0] =	vst v6;
	v14 =	vadd.f32 v12, v14;
	v10 =	vld [tilespmem:s28+$0x50]  }
0xc6: {  	v6 =	vmax.f32 v16, v8;
	v12 =	vmul.f32 $1.000000010e-01, v17;
	v13 =	vadd.f32 v7, v18;
	v8 =	vld [tilespmem:s28+$0x60]  }
0xc7: {  	[tilespmem:s28+$0xFFFFFFD0] =	vst v6;
	v9 =	vadd.f32 v9, v19;
	v7 =	vld [tilespmem:s28+$0x70];
	v16 =	vmul.f32 $1.000000010e-01, v14  }
0xc8: {  	s28 =	sadd.s32 $0x140, s28;
	v6 =	vld [tilespmem:s22+$0xFFFFFF60];
	v17 =	vmax.f32 v17, v12;
	v12 =	vadd.f32 v15, v20;
	v15 =	vmul.f32 $1.000000010e-01, v13  }
0xc9: {  	[tilespmem:s22+$0xFFFFFFE0] =	vst v17;
	v5 =	vadd.f32 v5, v11;
	v53 =	vmax.f32 v14, v16;
	v54 =	vmul.f32 $1.000000010e-01, v9  }
0xca: {  	v4 =	vadd.f32 v4, v10;
	[tilespmem:s22+$0x0] =	vst v53;
	v55 =	vmax.f32 v13, v15;
	v56 =	vmul.f32 $1.000000010e-01, v12  }
0xcb: {  	v3 =	vadd.f32 v3, v8;
	[tilespmem:s22+$0x10] =	vst v55;
	v57 =	vmax.f32 v9, v54;
	v58 =	vmul.f32 $1.000000010e-01, v5  }
0xcc: {  	v2 =	vadd.f32 v2, v7;
	[tilespmem:s22+$0x20] =	vst v57;
	v59 =	vmax.f32 v12, v56;
	v60 =	vmul.f32 $1.000000010e-01, v4  }
0xcd: {  	v1 =	vadd.f32 v1, v6;
	[tilespmem:s22+$0x30] =	vst v59;
	v5 =	vmax.f32 v5, v58;
	v61 =	vmul.f32 $1.000000010e-01, v3  }
0xce: {  	[tilespmem:s22+$0x40] =	vst v5;
	v4 =	vmax.f32 v4, v60;
	v62 =	vmul.f32 $1.000000010e-01, v2  }
0xcf: {  	v63 =	vmul.f32 $1.000000010e-01, v1;
	[tilespmem:s22+$0x50] =	vst v4;
	v3 =	vmax.f32 v3, v61  }
0xd0: {  	s20 =	sadd.s32 $0x1, s20;
	[tilespmem:s22+$0x60] =	vst v3;
	v2 =	vmax.f32 v2, v62  }
0xd1: {  	p1 =	sne.s32 s20, $0x7D;
	v1 =	vmax.f32 v1, v63;
	[tilespmem:s22+$0x70] =	vst v2  }
.Ltmp2:
0xd2: {  	s21 =	sadd.s32 $0x7D0, s21;
	[tilespmem:s22+$0xFFFFFF60] =	vst v1;
	(pc) =	sbr.rel @p1 .LBB2_4-.Ltmp2, $4  }
0xd3: {  	[spmem:s9] =	stream.indirect.scatter.add.f32 [tilespmem:s4], [sflag:$0x4], $0xA0, s21, s6, $0xb8;
	[tilespmem:$0x1F540] =	vst v63  }
0xd4: {  	_ =	swait.ge [sflag:s5], $0x3200  }
0xd5: {  	[sflag:s5] =	ssyncset.done $0x0  }
0xd6: {  	[sflag:s5] =	ssyncadd.s32 $0xFFFFCE00  }
0xd7: {  	[bflag:$0x0] =	sbarrier.arrive $0xFFFF  }
0xd8: {  	s20 =	rddreg [dreg:$0x13]  }
0xd9: {  	[tilespmem:s4], [sflag:$0x4] =	stream.linear.gather [spmem:s20], $0x3200, $0x38;
	[tilespmem:$0x1F540] =	vst v63  }
0xda: {  	_ =	swait.ge [sflag:s5], $0x3200  }
0xdb: {  	[sflag:s5] =	ssyncset.done $0x0  }
0xdc: {  	s26 =	rddreg [dreg:$0x3];
	[sflag:s5] =	ssyncadd.s32 $0xFFFFCE00  }
0xdd: {  	[hbm4b:s26+s1] =	stream.linear.scatter [tilespmem:s4], [sflag:$0x4], $0x3200, $0x38;
	[tilespmem:$0x1F540] =	vst v63  }
0xde: {  	_ =	swait.ge [sflag:s5], $0x3200  }
0xdf: {  	[sflag:s5] =	ssyncset.done $0x0  }
0xe0: {  	s28 =	rddreg [dreg:$0x14];
	[sflag:s5] =	ssyncadd.s32 $0xFFFFCE00  }
0xe1: {  	[tilespmem:s4], [sflag:$0x4] =	stream.linear.gather [spmem:s28], $0x3200, $0x38;
	[tilespmem:$0x1F540] =	vst v63  }
0xe2: {  	_ =	swait.ge [sflag:s5], $0x3200  }
0xe3: {  	[sflag:s5] =	ssyncset.done $0x0  }
0xe4: {  	s21 =	rddreg [dreg:$0x4];
	[sflag:s5] =	ssyncadd.s32 $0xFFFFCE00  }
0xe5: {  	[hbm4b:s21+s1] =	stream.linear.scatter [tilespmem:s4], [sflag:$0x4], $0x3200, $0x38;
	[tilespmem:$0x1F540] =	vst v63  }
0xe6: {  	_ =	swait.ge [sflag:s5], $0x3200  }
0xe7: {  	[sflag:s5] =	ssyncset.done $0x0  }
0xe8: {  	[sflag:s5] =	ssyncadd.s32 $0xFFFFCE00  }
0xe9: {  	[tilespmem:s4], [sflag:$0x4] =	stream.linear.gather [spmem:s29], $0x3200, $0x38;
	[tilespmem:$0x1F540] =	vst v63  }
0xea: {  	_ =	swait.ge [sflag:s5], $0x3200  }
0xeb: {  	[sflag:s5] =	ssyncset.done $0x0  }
0xec: {  	s22 =	rddreg [dreg:$0x5];
	[sflag:s5] =	ssyncadd.s32 $0xFFFFCE00  }
0xed: {  	[hbm4b:s22+s1] =	stream.linear.scatter [tilespmem:s4], [sflag:$0x4], $0x3200, $0x38;
	[tilespmem:$0x1F540] =	vst v63  }
0xee: {  	_ =	swait.ge [sflag:s5], $0x3200  }
0xef: {  	[sflag:s5] =	ssyncset.done $0x0  }
0xf0: {  	[sflag:s5] =	ssyncadd.s32 $0xFFFFCE00  }
0xf1: {  	[tilespmem:s4], [sflag:$0x4] =	stream.linear.gather [spmem:s30], $0x3200, $0x38;
	[tilespmem:$0x1F540] =	vst v63  }
0xf2: {  	_ =	swait.ge [sflag:s5], $0x3200  }
0xf3: {  	[sflag:s5] =	ssyncset.done $0x0  }
0xf4: {  	s23 =	rddreg [dreg:$0x6];
	[sflag:s5] =	ssyncadd.s32 $0xFFFFCE00  }
0xf5: {  	[hbm4b:s23+s1] =	stream.linear.scatter [tilespmem:s4], [sflag:$0x4], $0x3200, $0x38;
	[tilespmem:$0x1F540] =	vst v63  }
0xf6: {  	_ =	swait.ge [sflag:s5], $0x3200  }
0xf7: {  	[sflag:s5] =	ssyncset.done $0x0  }
0xf8: {  	[sflag:s5] =	ssyncadd.s32 $0xFFFFCE00  }
0xf9: {  	[tilespmem:s4], [sflag:$0x4] =	stream.linear.gather [spmem:s31], $0x3200, $0x38;
	[tilespmem:$0x1F540] =	vst v63  }
0xfa: {  	_ =	swait.ge [sflag:s5], $0x3200  }
0xfb: {  	[sflag:s5] =	ssyncset.done $0x0  }
0xfc: {  	s24 =	rddreg [dreg:$0x7];
	[sflag:s5] =	ssyncadd.s32 $0xFFFFCE00  }
0xfd: {  	[hbm4b:s24+s1] =	stream.linear.scatter [tilespmem:s4], [sflag:$0x4], $0x3200, $0x38;
	[tilespmem:$0x1F540] =	vst v63  }
0xfe: {  	_ =	swait.ge [sflag:s5], $0x3200  }
0xff: {  	[sflag:s5] =	ssyncset.done $0x0  }
0x100: {  	[sflag:s5] =	ssyncadd.s32 $0xFFFFCE00  }
0x101: {  	[tilespmem:s4], [sflag:$0x4] =	stream.linear.gather [spmem:s7], $0x3200, $0x38;
	[tilespmem:$0x1F540] =	vst v63  }
0x102: {  	_ =	swait.ge [sflag:s5], $0x3200  }
0x103: {  	[sflag:s5] =	ssyncset.done $0x0  }
0x104: {  	s26 =	rddreg [dreg:$0x8];
	[sflag:s5] =	ssyncadd.s32 $0xFFFFCE00  }
0x105: {  	[hbm4b:s26+s1] =	stream.linear.scatter [tilespmem:s4], [sflag:$0x4], $0x3200, $0x38;
	[tilespmem:$0x1F540] =	vst v63  }
0x106: {  	_ =	swait.ge [sflag:s5], $0x3200  }
0x107: {  	[sflag:s5] =	ssyncset.done $0x0  }
0x108: {  	[sflag:s5] =	ssyncadd.s32 $0xFFFFCE00  }
0x109: {  	[tilespmem:s4], [sflag:$0x4] =	stream.linear.gather [spmem:s0], $0x3200, $0x38;
	[tilespmem:$0x1F540] =	vst v63  }
0x10a: {  	_ =	swait.ge [sflag:s5], $0x3200  }
0x10b: {  	[sflag:s5] =	ssyncset.done $0x0  }
0x10c: {  	s28 =	rddreg [dreg:$0x9];
	[sflag:s5] =	ssyncadd.s32 $0xFFFFCE00  }
0x10d: {  	[hbm4b:s28+s1] =	stream.linear.scatter [tilespmem:s4], [sflag:$0x4], $0x3200, $0x38;
	[tilespmem:$0x1F540] =	vst v63  }
0x10e: {  	_ =	swait.ge [sflag:s5], $0x3200  }
0x10f: {  	[sflag:s5] =	ssyncset.done $0x0  }
0x110: {  	s20 =	simm.s32 @!p0 $0xFA0;
	s21 =	simm.s32 @!p0 $0x4;
	[sflag:s5] =	ssyncadd.s32 $0xFFFFCE00  }
0x111: {  	[tilespmem:s20], [sflag:$0x4] =	stream.linear.gather @!p0 [spmem:s2], $0x3200, $0x38;
	[tilespmem:$0x1F540] =	vst v63  }
0x112: {  	s19 =	sadd.s32 $0x1, s19;
	_ =	swait.ge @!p0 [sflag:s21], $0x3200  }
0x113: {  	p1 =	sne.s32 s19, s3;
	s22 =	simm.s32 @!p0 $0x0;
	[sflag:s21] =	ssyncset.done @!p0 $0x0  }
.Ltmp3:
0x114: {  	s23 =	rddreg [dreg:$0xa];
	[sflag:s21] =	ssyncadd.s32 @!p0 $0xFFFFCE00;
	(pc) =	sbr.rel @p1 .LBB2_1-.Ltmp3, $4  }
0x115: {  	[hbm4b:s23+s22] =	stream.linear.scatter @!p0 [tilespmem:s20], [sflag:$0x4], $0x3200, $0x38;
	[tilespmem:$0x1F540] =	vst v63  }
0x116: {  	_ =	swait.ge @!p0 [sflag:s21], $0x3200  }
0x117: {  	[sflag:s21] =	ssyncset.done @!p0 $0x0  }
0x118: {  	[sflag:s21] =	ssyncadd.s32 @!p0 $0xFFFFCE00  }
0x119: {  	_ =	sfence.sel $0x180000  }
0x11a: {  	[bflag:$0x0] =	sbarrier.arrive $0xFFFF  }
0x11b: {  	_ =	strace $0x90000047  }
0x11c: {  	s0 =	stileid.u32;
	[bflag:$0x2] =	sbarrier.arrive $0xFFFF  }
0x11d: {  	p0 =	sne.s32 s0, $0x0;
	s0 =	rddreg [dreg:$0x2]  }
0x11e: {  	s0 =	sadd.s32 @!p0 $0x100000, s0  }
0x11f: {  	[sflag:s0] =	ssyncadd.tile.s32 @!p0 $0x1;
	_ =	shalt  }
.Lfunc_end2:
_tile_overlayer_lowered:
.L_overlay_start_2:
0x120: {  	(tag) =	ssettag $0x2  }
0x121: {  	s0 =	rddreg [dreg:$0x0];
	s2 =	stileid.u32  }
0x122: {  	s1 =	rddreg [dreg:$0x1];
	p0 =	sne.s32 s2, $0x0  }
0x123: {  	s3 =	rddreg [dreg:$0x2];
	[bflag:$0x3] =	sbarrier.arrive $0xFFFF;
	s2 =	simm.s32 @!p0 $0x1C04  }
0x124: {  	[timem:s3], [sflag:s2] =	dma.local @!p0 [hbm:s0], s1  }
0x125: {  	s0 =	simm.s32 @!p0 $0x4  }
0x126: {  	_ =	swait.ge @!p0 [sflag:s0], s1  }
0x127: {  	s1 =	ssub.s32 @!p0 $0x0, s1;
	[sflag:s0] =	ssyncset.done @!p0 $0x0  }
0x128: {  	[sflag:s0] =	ssyncadd.s32 @!p0 s1  }
0x129: {  	[bflag:$0x3] =	sbarrier.arrive $0xFFFF  }
0x12a: {  	_ =	shalt  }

// kernel: kernel.9.cloned.1.call-start
scs
__scs_entry_jumppad:
0x0: {  	(pc) =	sbr.rel $0x88, $3  }
0x1: {  	(tag) =	ssettag $0x0;
	lr =	simm.s32 $0x1  }
0x2: {  	[smem:$0x3F93] =	sst lr;
	_ =	strace $0xD0000000  }
0x3: {  	_ = 	snop  }
0x4: {  	_ = 	snop  }
0x5: {  	_ = 	snop  }
0x6: {  	_ = 	snop  }
0x7: {  	_ = 	snop  }
__scs_overlays_trampoline_lowered:
0x8: {  	[smem:$0x3FA2] =	sst s0  }
0x9: {  	[smem:$0x3FA3] =	sst s1  }
0xa: {  	[smem:$0x3FA4] =	sst s2  }
0xb: {  	[smem:$0x3FA5] =	sst s3  }
0xc: {  	[smem:$0x3FA6] =	sst s4  }
0xd: {  	[smem:$0x3FA7] =	sst s5  }
0xe: {  	[smem:$0x3FA8] =	sst s6  }
0xf: {  	[smem:$0x3FA9] =	sst s7  }
0x10: {  	[smem:$0x3FAA] =	sst s8  }
0x11: {  	[smem:$0x3FAB] =	sst s9;
	s0 =	simm.s32 @!p0 $0x0  }
0x12: {  	s1 =	sld [smem:$0x3F91];
	s0 =	simm.s32 @p0 $0x1  }
0x13: {  	[smem:$0x3FAC] =	sst s0;
	s0 =	simm.s32 @!p1 $0x0  }
0x14: {  	s2 =	sld [smem:$0x3F90];
	s0 =	simm.s32 @p1 $0x1  }
0x15: {  	[smem:$0x3FAD] =	sst s0;
	s0 =	simm.s32 @!p2 $0x0  }
0x16: {  	s3 =	sld [smem:$0x3FDB];
	s0 =	simm.s32 @p2 $0x1  }
0x17: {  	s4 =	simm.s32 $0x1BF5;
	[smem:$0x3FAF] =	sst s0  }
0x18: {  	s0 =	sld [smem:$0x3F92];
	_ =	swait.ge [sflag:s4], $0x0  }
0x19: {  	s7 =	sld [smem:$0x3F93]  }
0x1a: {  	s8 =	sadd.s32 $0xFFFFE003, lr  }
0x1b: {  	s9 =	sadd.s32 $0xFFFFFEF7, lr;
	s5 =	simm.s32 $0xFFFFFFFF;
	p2 =	slt.u32 s8, $0xFFFFF086  }
0x1c: {  	p1 =	slt.u32 s9, $0xF7A;
	s5 =	simm.s32 @!p2 $0x0  }
0x1d: {  	s5 =	simm.s32 @p1 $0x1;
	p0 =	seq.s32 s7, s2  }
0x1e: {  	s7 =	smul.u32 @!p0 $0xF7A, s2;
	p2 =	seq.s32 @!p0 s5, $0x0  }
0x1f: {  	s9 =	smul.u32 $0xF7A, s1;
	s8 =	simm.s32 @!p0 $0x1BF5;
	p2 =	por !p2, p0  }
0x20: {  	[sflag:s8] =	ssyncset.s32 @!p0 $0xFFFFF086;
	s6 =	sadd.s32 @!p0 s3, s7;
	s7 =	simm.s32 @!p0 $0x108  }
0x21: {  	s3 =	sadd.s32 s3, s9;
	s6 =	sadd.s32 @!p0 $0x88, s6;
	s7 =	simm.s32 @p2 $0x1082  }
0x22: {  	[simem:s7], [sflag:s8] =	dma.local @!p0 [hbm:s6], $0xF7A  }
0x23: {  	s9 =	sor.u32 $0xD0000000, s2;
	s6 =	simm.s32 $0x108;
	_ =	swait.ge @!p0 [sflag:s8], $0x0  }
0x24: {  	s3 =	sadd.s32 $0x88, s3;
	s6 =	simm.s32 @!p1 $0x1082;
	[sflag:s4] =	ssyncset.s32 $0xFFFFF086  }
0x25: {  	[simem:s6], [sflag:s4] =	dma.local [hbm:s3], $0xF7A  }
0x26: {  	[smem:$0x3F93] =	sst s1;
	(tag) =	ssettag s2;
	_ =	strace s9  }
0x27: {  	s1 =	sld [smem:$0x3FA3]  }
0x28: {  	s2 =	sld [smem:$0x3FA4]  }
0x29: {  	s4 =	sld [smem:$0x3FA6]  }
0x2a: {  	p0 =	seq.s32 s5, $0x0;
	s5 =	sld [smem:$0x3FA7]  }
0x2b: {  	s6 =	sld [smem:$0x3FA8]  }
0x2c: {  	s7 =	sld [smem:$0x3FA9]  }
0x2d: {  	s3 =	simm.s32 $0x108;
	s8 =	sld [smem:$0x3FAA]  }
0x2e: {  	s3 =	simm.s32 @!p0 $0x1082;
	s9 =	sld [smem:$0x3FAB]  }
0x2f: {  	lr =	sadd.s32 s0, s3;
	s0 =	sld [smem:$0x3FA2]  }
0x30: {  	s3 =	sld [smem:$0x3FA5]  }
0x31: {  	[smem:$0x3FAE] =	sst s10  }
0x32: {  	s10 =	sld [smem:$0x3FAC];
	_ =	sdelay $0x3  }
0x33: {  	p0 =	seq.s32 s10, $0x1;
	s10 =	sld [smem:$0x3FAE];
	_ =	sdelay $0x3  }
0x34: {  	[smem:$0x3FAE] =	sst s10  }
0x35: {  	s10 =	sld [smem:$0x3FAD];
	_ =	sdelay $0x3  }
0x36: {  	p1 =	seq.s32 s10, $0x1;
	s10 =	sld [smem:$0x3FAE];
	_ =	sdelay $0x3  }
0x37: {  	[smem:$0x3FAE] =	sst s10  }
0x38: {  	s10 =	sld [smem:$0x3FAF]  }
0x39: {  	_ = 	snop;
	(pc) =	sbr.ind lr, $3  }
0x3a: {  	_ = 	snop  }
0x3b: {  	_ = 	snop  }
0x3c: {  	p2 =	seq.s32 s10, $0x1;
	s10 =	sld [smem:$0x3FAE]  }
0x3d: {  	_ =	shalt  }
0x3e: {  	_ =	shalt  }
0x3f: {  	_ =	shalt  }
0x40: {  	_ =	shalt  }
0x41: {  	_ =	shalt  }
0x42: {  	_ =	shalt  }
0x43: {  	_ =	shalt  }
0x44: {  	_ =	shalt  }
0x45: {  	_ =	shalt  }
0x46: {  	_ =	shalt  }
0x47: {  	_ =	shalt  }
0x48: {  	_ =	shalt  }
0x49: {  	_ =	shalt  }
0x4a: {  	_ =	shalt  }
0x4b: {  	_ =	shalt  }
0x4c: {  	_ =	shalt  }
0x4d: {  	_ =	shalt  }
0x4e: {  	_ =	shalt  }
0x4f: {  	_ =	shalt  }
0x50: {  	_ =	shalt  }
0x51: {  	_ =	shalt  }
0x52: {  	_ =	shalt  }
0x53: {  	_ =	shalt  }
0x54: {  	_ =	shalt  }
0x55: {  	_ =	shalt  }
0x56: {  	_ =	shalt  }
0x57: {  	_ =	shalt  }
0x58: {  	_ =	shalt  }
0x59: {  	_ =	shalt  }
0x5a: {  	_ =	shalt  }
0x5b: {  	_ =	shalt  }
0x5c: {  	_ =	shalt  }
0x5d: {  	_ =	shalt  }
0x5e: {  	_ =	shalt  }
0x5f: {  	_ =	shalt  }
0x60: {  	_ =	shalt  }
0x61: {  	_ =	shalt  }
0x62: {  	_ =	shalt  }
0x63: {  	_ =	shalt  }
0x64: {  	_ =	shalt  }
0x65: {  	_ =	shalt  }
0x66: {  	_ =	shalt  }
0x67: {  	_ =	shalt  }
0x68: {  	_ =	shalt  }
0x69: {  	_ =	shalt  }
0x6a: {  	_ =	shalt  }
0x6b: {  	_ =	shalt  }
0x6c: {  	_ =	shalt  }
0x6d: {  	_ =	shalt  }
0x6e: {  	_ =	shalt  }
0x6f: {  	_ =	shalt  }
0x70: {  	_ =	shalt  }
0x71: {  	_ =	shalt  }
0x72: {  	_ =	shalt  }
0x73: {  	_ =	shalt  }
0x74: {  	_ =	shalt  }
0x75: {  	_ =	shalt  }
0x76: {  	_ =	shalt  }
0x77: {  	_ =	shalt  }
0x78: {  	_ =	shalt  }
0x79: {  	_ =	shalt  }
0x7a: {  	_ =	shalt  }
0x7b: {  	_ =	shalt  }
0x7c: {  	_ =	shalt  }
0x7d: {  	_ =	shalt  }
0x7e: {  	_ =	shalt  }
0x7f: {  	_ =	shalt  }
0x80: {  	_ =	shalt  }
0x81: {  	_ =	shalt  }
0x82: {  	_ =	shalt  }
0x83: {  	_ =	shalt  }
0x84: {  	_ =	shalt  }
0x85: {  	_ =	shalt  }
0x86: {  	_ =	shalt  }
0x87: {  	_ =	shalt  }
.Lfunc_end0:
.L_simem_size_0:
called_computation.1_lowered:
.L_overlay_start_0:
0x88: {  	s2 =	sld [smem:$0x3FD9]  }
0x89: {  	s3 =	sld [smem:$0x3FFE];
	_ =	sdelay $0x1  }
0x8a: {  	s1 =	srdreg.scid  }
0x8b: {  	s0 =	sand.u32 $0x1, s1  }
0x8c: {  	s17 =	sshll.u32 s0, $0xA;
	s2 =	sadd.s32 s3, s2  }
0x8d: {  	s2 =	sadd.s32 s2, s17  }
0x8e: {  	[smem:$0x3FBA] =	sst s2  }
0x8f: {  	_ = 	snop  }
0x90: {  	s18 =	sld [smem:$0x3FC4]  }
0x91: {  	s4 =	sld [smem:$0x3FD0];
	(tm) =	ssettm $0x1  }
0x92: {  	s19 =	sld [smem:$0x3FFB];
	_ =	sdelay $0x3  }
0x93: {  	_ =	strace s19  }
0x94: {  	s2 =	sld [smem:$0x3FFC];
	_ =	sdelay $0x3  }
0x95: {  	_ =	strace s2  }
0x96: {  	s2 =	sld [smem:$0x3FFD];
	_ =	sdelay $0x3  }
0x97: {  	_ =	strace s2  }
0x98: {  	_ =	strace $0x8FFFFFFF  }
0x99: {  	s20 =	sld [smem:$0x3FDB];
	_ =	sdelay $0x1  }
0x9a: {  	s5 =	simm.s32 $_scs_section_size  }
0x9b: {  	s6 =	simm.s32 $_size__tile_overlayer_lowered;
	s7 =	simm.s32 $_tile_overlayer_lowered  }
0x9c: {  	s8 =	simm.s32 $0x1BFF;
	s21 =	sshll.u32 s7, $0x1;
	s5 =	sadd.s32 s5, s20  }
0x9d: {  	s22 =	simm.s32 $0x0;
	s6 =	sshll.u32 s6, $0x1;
	s7 =	sadd.s32 s21, s5  }
0x9e: {  	[timem:s22], [sflag:s8] =	dma.local [hbm:s7], s6  }
0x9f: {  	_ =	swait.ge [sflag:s8], s6  }
0xa0: {  	s6 =	ssub.s32 $0x0, s6;
	[sflag:s8] =	ssyncset.done $0x0  }
0xa1: {  	[sflag:s8] =	ssyncadd.s32 s6;
	_ =	sdelay $0x1  }
0xa2: {  	s23 =	simm.s32 $0x1B8B  }
0xa3: {  	_ =	swait.ge [sflag:s23], $0x1  }
0xa4: {  	[sflag:s23] =	ssyncset.done $0x0  }
0xa5: {  	[sflag:s23] =	ssyncadd.s32 $0xFFFFFFFF  }
0xa6: {  	s6 =	sld [smem:$0x0]  }
0xa7: {  	s7 =	sand.u32 $0xFFFFFFFE, s1  }
0xa8: {  	p0 =	sne.s32 s1, s7  }
0xa9: {  	s7 =	sshll.u32 @p0 s7, $0xE  }
0xaa: {  	s7 =	sadd.s32 @p0 $0x11B8D, s7;
	s8 =	sshll.u32 @p0 s6, $0x11  }
0xab: {  	s7 =	sor.u32 @p0 s8, s7  }
0xac: {  	[sflag:s7] =	ssyncadd.remote.s32 @p0 $0x1;
	_ =	sdelay $0x1  }
0xad: {  	s7 =	simm.s32 @p0 $0x1B8D  }
0xae: {  	_ =	swait.eq @p0 [sflag:s7], $0x1  }
0xaf: {  	[sflag:s7] =	ssyncadd.s32 @p0 $0xFFFFFFFF  }
0xb0: {  	s8 =	sshll.u32 @!p0 s1, $0xE  }
0xb1: {  	s8 =	sor.u32 @!p0 $0x4000, s8;
	s7 =	simm.s32 @!p0 $0x1B8D  }
0xb2: {  	s6 =	sshll.u32 @!p0 s6, $0x11;
	s8 =	sadd.s32 @!p0 $0x11B8D, s8;
	_ =	swait.eq @!p0 [sflag:s7], $0x1  }
0xb3: {  	s6 =	sor.u32 @!p0 s6, s8;
	[sflag:s7] =	ssyncadd.s32 @!p0 $0xFFFFFFFF  }
0xb4: {  	s25 =	simm.s32 $0x1B8E;
	s24 =	sld [smem:$0x3FFE];
	[sflag:s6] =	ssyncadd.remote.s32 @!p0 $0x1  }
0xb5: {  	s26 =	simm.s32 $execute0_lowered;
	[smem:$0x3FD2] =	sst s25  }
0xb6: {  	s7 =	sshll.u32 s26, $0x1;
	_ =	strace $0x80000049;
	[dreg:$0x1] =	wrdreg $0xFFFFFFFF  }
0xb7: {  	s28 =	simm.s32 $_size_execute0_lowered;
	s5 =	sadd.s32 s5, s7;
	[dreg:$0x0] =	wrdreg $0x0  }
0xb8: {  	s7 =	sshll.u32 s28, $0x1;
	[dreg:$0x2] =	wrdreg s5  }
0xb9: {  	[dreg:$0x3] =	wrdreg s7  }
0xba: {  	[dreg:$0x4] =	wrdreg $0xC0  }
0xbb: {  	_ =	task [dreg:s22], $0x5FFFF  }
0xbc: {  	[dreg:$0x1] =	wrdreg $0xFFFFFFFF  }
0xbd: {  	[dreg:$0x0] =	wrdreg $0x60  }
0xbe: {  	[dreg:$0x2] =	wrdreg s24  }
0xbf: {  	[dreg:$0x3] =	wrdreg s18  }
0xc0: {  	[dreg:$0x4] =	wrdreg s4  }
0xc1: {  	[dreg:$0x5] =	wrdreg $0xA  }
0xc2: {  	_ =	task.clear_ibuf [dreg:s22], $0x6FFFF;
	_ =	strace $0x90000049  }
0xc3: {  	s29 =	simm.s32 $0xA;
	_ =	strace $0x8000004B  }
0xc4: {  	_ =	swait.ge [sflag:s29], $0x1  }
0xc5: {  	[sflag:s29] =	ssyncadd.s32 $0xFFFFFFFF  }
0xc6: {  	_ =	strace $0x9000004B  }
0xc7: {  	_ =	sfence  }
0xc8: {  	s30 =	sld [smem:$0x0];
	_ =	sdelay $0x2  }
0xc9: {  	s31 =	sshll.u32 s1, $0xD;
	s1 =	sshrl.u32 s1, $0x2  }
0xca: {  	s4 =	sand.u32 $0x4000, s31;
	s1 =	sadd.s32 s1, s30  }
0xcb: {  	s0 =	sor.u32 s4, s0;
	s1 =	sshll.u32 s1, $0x11  }
0xcc: {  	s0 =	sor.u32 s1, s0  }
0xcd: {  	s0 =	sadd.s32 $0x8F2B, s0  }
0xce: {  	[sflag:s0] =	ssyncadd.remote.s32 $0x1  }
0xcf: {  	_ =	sfence.sel $0xFFFF  }
0xd0: {  	[dreg:$0x0] =	wrdreg $0xFFFFFFFF;
	(pc) =	sbr.abs _section_cstart, $3  }
0xd1: {  	[dreg:$0x1] =	wrdreg $0xFFFFFFFF  }
0xd2: {  	_ =	task.clear_ibuf [dreg:s22], $0x2FFFF;
	_ =	strace $0x9FFFFFFF  }
0xd3: {  	(tm) =	ssettm $0x7FFFFFFF  }
tec
execute0_lowered:
.L_overlay_start_1:
0x0: {  	(tag) =	ssettag $0x1  }
0x1: {  	s0 =	srdreg.scid  }
0x2: {  	s16 =	sand.u32 $0x1, s0  }
0x3: {  	s5 =	rddreg [dreg:$0x0];
	s0 =	stileid.u32;
	s1 =	sshll.u32 s16, $0x4  }
0x4: {  	s13 =	rddreg [dreg:$0x1];
	s14 =	sor.u32 s0, s1  }
0x5: {  	s18 =	rddreg [dreg:$0x2];
	s2 =	simm.s32 $0x0;
	s3 =	smul.u32 $0xA, s14  }
0x6: {  	s4 =	simm.s32 $0x2;
	[smem:$0x7FF] =	sst s2  }
0x7: {  	s1 =	rddreg [dreg:$0x3];
	_ =	strace $0x8000004A;
	s3 =	sadd.s32 s13, s3  }
0x8: {  	[tilespmem:s2], [sflag:$0x2] =	stream.linear.gather [hbm4b:s3+s2], $0x50, $0x38;
	[tilespmem:$0x2850] =	vst v63  }
0x9: {  	_ =	swait.ge [sflag:s4], $0x50  }
0xa: {  	s6 =	simm.s32 $0x50;
	[sflag:s4] =	ssyncset.done $0x0  }
0xb: {  	s7 =	simm.s32 $0x1;
	s5 =	sadd.s32 $0x9C6A00, s5;
	[sflag:s4] =	ssyncadd.s32 $0xFFFFFFB0  }
0xc: {  	[tilespmem:s6], [sflag:$0x1] =	stream.indirect.gather [hbm4b:s5+s6], $0x80, s2, s6, $0xb8;
	[tilespmem:$0x2850] =	vst v63  }
0xd: {  	s8 =	smul.u32 $0x500, s14;
	_ =	swait.ge [sflag:s7], $0x2800  }
0xe: {  	[sflag:s7] =	ssyncset.done $0x0  }
0xf: {  	s10 =	sor.u32 $0x20, s14;
	s8 =	sadd.s32 s18, s8;
	[sflag:s7] =	ssyncadd.s32 $0xFFFFD800  }
0x10: {  	[hbm4b:s8+s2] =	stream.linear.scatter [tilespmem:s6], [sflag:$0x2], $0x2800, $0x38;
	[tilespmem:$0x2850] =	vst v63  }
0x11: {  	s9 =	smul.u32 $0xA, s10;
	_ =	swait.ge [sflag:s4], $0x2800  }
0x12: {  	[sflag:s4] =	ssyncset.done $0x0  }
0x13: {  	s9 =	sadd.s32 s13, s9;
	[sflag:s4] =	ssyncadd.s32 $0xFFFFD800  }
0x14: {  	[tilespmem:s2], [sflag:$0x2] =	stream.linear.gather [hbm4b:s9+s2], $0x50, $0x38;
	[tilespmem:$0x2850] =	vst v63  }
0x15: {  	_ =	swait.ge [sflag:s4], $0x50  }
0x16: {  	[sflag:s4] =	ssyncset.done $0x0  }
0x17: {  	[sflag:s4] =	ssyncadd.s32 $0xFFFFFFB0  }
0x18: {  	[tilespmem:s6], [sflag:$0x1] =	stream.indirect.gather [hbm4b:s5+s6], $0x80, s2, s6, $0xb8;
	[tilespmem:$0x2850] =	vst v63  }
0x19: {  	s10 =	smul.u32 $0x500, s10;
	_ =	swait.ge [sflag:s7], $0x2800  }
0x1a: {  	[sflag:s7] =	ssyncset.done $0x0  }
0x1b: {  	s12 =	sor.u32 $0x40, s14;
	s10 =	sadd.s32 s18, s10;
	[sflag:s7] =	ssyncadd.s32 $0xFFFFD800  }
0x1c: {  	[hbm4b:s10+s2] =	stream.linear.scatter [tilespmem:s6], [sflag:$0x2], $0x2800, $0x38;
	[tilespmem:$0x2850] =	vst v63  }
0x1d: {  	s11 =	smul.u32 $0xA, s12;
	_ =	swait.ge [sflag:s4], $0x2800  }
0x1e: {  	[sflag:s4] =	ssyncset.done $0x0  }
0x1f: {  	s11 =	sadd.s32 s13, s11;
	[sflag:s4] =	ssyncadd.s32 $0xFFFFD800  }
0x20: {  	[tilespmem:s2], [sflag:$0x2] =	stream.linear.gather [hbm4b:s11+s2], $0x50, $0x38;
	[tilespmem:$0x2850] =	vst v63  }
0x21: {  	_ =	swait.ge [sflag:s4], $0x50  }
0x22: {  	[sflag:s4] =	ssyncset.done $0x0  }
0x23: {  	[sflag:s4] =	ssyncadd.s32 $0xFFFFFFB0  }
0x24: {  	[tilespmem:s6], [sflag:$0x1] =	stream.indirect.gather [hbm4b:s5+s6], $0x80, s2, s6, $0xb8;
	[tilespmem:$0x2850] =	vst v63  }
0x25: {  	s20 =	ssub.s32 $0x2, s16;
	s12 =	smul.u32 $0x500, s12;
	_ =	swait.ge [sflag:s7], $0x2800  }
0x26: {  	s21 =	sshrl.u32 s20, $0x1;
	[sflag:s7] =	ssyncset.done $0x0  }
0x27: {  	s19 =	sor.u32 $0x60, s14;
	s12 =	sadd.s32 s18, s12;
	[sflag:s7] =	ssyncadd.s32 $0xFFFFD800  }
0x28: {  	[hbm4b:s12+s2] =	stream.linear.scatter [tilespmem:s6], [sflag:$0x2], $0x2800, $0x38;
	[tilespmem:$0x2850] =	vst v63  }
0x29: {  	p0 =	sgt.u32 s14, $0x1C;
	s15 =	smul.u32 $0xA, s19;
	_ =	swait.ge [sflag:s4], $0x2800  }
0x2a: {  	s20 =	ssub.s32 s20, s21;
	s14 =	simm.s32 @!p0 $0x2;
	[sflag:s4] =	ssyncset.done $0x0  }
0x2b: {  	s13 =	sadd.s32 s13, s15;
	s15 =	simm.s32 @!p0 $0x0;
	[sflag:s4] =	ssyncadd.s32 $0xFFFFD800  }
0x2c: {  	[tilespmem:s15], [sflag:$0x2] =	stream.linear.gather @!p0 [hbm4b:s13+s15], $0x50, $0x38;
	[tilespmem:$0x2850] =	vst v63  }
0x2d: {  	s16 =	simm.s32 @!p0 $0x50;
	s19 =	smul.u32 $0x500, s19;
	_ =	swait.ge @!p0 [sflag:s14], $0x50  }
0x2e: {  	s17 =	simm.s32 @!p0 $0x1;
	s20 =	smax.u32 s20, $0x1;
	[sflag:s14] =	ssyncset.done @!p0 $0x0  }
0x2f: {  	s18 =	sadd.s32 s18, s19;
	s19 =	sadd.s32 $0xFFFFFFFF, s20;
	[sflag:s14] =	ssyncadd.s32 @!p0 $0xFFFFFFB0  }
0x30: {  	[tilespmem:s16], [sflag:$0x1] =	stream.indirect.gather @!p0 [hbm4b:s5+s16], $0x80, s15, s16, $0xb8;
	[tilespmem:$0x2850] =	vst v63  }
0x31: {  	p1 =	sne.s32 s19, $0x0;
	_ =	swait.ge @!p0 [sflag:s17], $0x2800  }
.Ltmp0:
0x32: {  	[sflag:s17] =	ssyncset.done @!p0 $0x0;
	(pc) =	sbr.rel @!p1 .LBB2_2-.Ltmp0, $4  }
0x33: {  	[sflag:s17] =	ssyncadd.s32 @!p0 $0xFFFFD800  }
0x34: {  	[hbm4b:s18+s15] =	stream.linear.scatter @!p0 [tilespmem:s16], [sflag:$0x2], $0x2800, $0x38;
	[tilespmem:$0x2850] =	vst v63  }
0x35: {  	_ =	swait.ge @!p0 [sflag:s14], $0x2800  }
0x36: {  	[sflag:s14] =	ssyncset.done @!p0 $0x0  }
.LBB2_1:
0x37: {  	s19 =	sadd.s32 $0xFFFFFFFF, s19;
	[sflag:s14] =	ssyncadd.s32 @!p0 $0xFFFFD800  }
0x38: {  	[tilespmem:s2], [sflag:$0x2] =	stream.linear.gather [hbm4b:s3+s2], $0x50, $0x38;
	[tilespmem:$0x2850] =	vst v63  }
0x39: {  	p1 =	sne.s32 s19, $0x0;
	_ =	swait.ge [sflag:s4], $0x50  }
0x3a: {  	[sflag:s4] =	ssyncset.done $0x0  }
0x3b: {  	[sflag:s4] =	ssyncadd.s32 $0xFFFFFFB0  }
0x3c: {  	[tilespmem:s6], [sflag:$0x1] =	stream.indirect.gather [hbm4b:s5+s6], $0x80, s2, s6, $0xb8;
	[tilespmem:$0x2850] =	vst v63  }
0x3d: {  	_ =	swait.ge [sflag:s7], $0x2800  }
0x3e: {  	[sflag:s7] =	ssyncset.done $0x0  }
0x3f: {  	[sflag:s7] =	ssyncadd.s32 $0xFFFFD800  }
0x40: {  	[hbm4b:s8+s2] =	stream.linear.scatter [tilespmem:s6], [sflag:$0x2], $0x2800, $0x38;
	[tilespmem:$0x2850] =	vst v63  }
0x41: {  	_ =	swait.ge [sflag:s4], $0x2800  }
0x42: {  	[sflag:s4] =	ssyncset.done $0x0  }
0x43: {  	[sflag:s4] =	ssyncadd.s32 $0xFFFFD800  }
0x44: {  	[tilespmem:s2], [sflag:$0x2] =	stream.linear.gather [hbm4b:s9+s2], $0x50, $0x38;
	[tilespmem:$0x2850] =	vst v63  }
0x45: {  	_ =	swait.ge [sflag:s4], $0x50  }
0x46: {  	[sflag:s4] =	ssyncset.done $0x0  }
0x47: {  	[sflag:s4] =	ssyncadd.s32 $0xFFFFFFB0  }
0x48: {  	[tilespmem:s6], [sflag:$0x1] =	stream.indirect.gather [hbm4b:s5+s6], $0x80, s2, s6, $0xb8;
	[tilespmem:$0x2850] =	vst v63  }
0x49: {  	_ =	swait.ge [sflag:s7], $0x2800  }
0x4a: {  	[sflag:s7] =	ssyncset.done $0x0  }
0x4b: {  	[sflag:s7] =	ssyncadd.s32 $0xFFFFD800  }
0x4c: {  	[hbm4b:s10+s2] =	stream.linear.scatter [tilespmem:s6], [sflag:$0x2], $0x2800, $0x38;
	[tilespmem:$0x2850] =	vst v63  }
0x4d: {  	_ =	swait.ge [sflag:s4], $0x2800  }
0x4e: {  	[sflag:s4] =	ssyncset.done $0x0  }
0x4f: {  	[sflag:s4] =	ssyncadd.s32 $0xFFFFD800  }
0x50: {  	[tilespmem:s2], [sflag:$0x2] =	stream.linear.gather [hbm4b:s11+s2], $0x50, $0x38;
	[tilespmem:$0x2850] =	vst v63  }
0x51: {  	_ =	swait.ge [sflag:s4], $0x50  }
0x52: {  	[sflag:s4] =	ssyncset.done $0x0  }
0x53: {  	[sflag:s4] =	ssyncadd.s32 $0xFFFFFFB0  }
0x54: {  	[tilespmem:s6], [sflag:$0x1] =	stream.indirect.gather [hbm4b:s5+s6], $0x80, s2, s6, $0xb8;
	[tilespmem:$0x2850] =	vst v63  }
0x55: {  	_ =	swait.ge [sflag:s7], $0x2800  }
0x56: {  	[sflag:s7] =	ssyncset.done $0x0  }
0x57: {  	[sflag:s7] =	ssyncadd.s32 $0xFFFFD800  }
0x58: {  	[hbm4b:s12+s2] =	stream.linear.scatter [tilespmem:s6], [sflag:$0x2], $0x2800, $0x38;
	[tilespmem:$0x2850] =	vst v63  }
0x59: {  	_ =	swait.ge [sflag:s4], $0x2800  }
0x5a: {  	[sflag:s4] =	ssyncset.done $0x0  }
0x5b: {  	[sflag:s4] =	ssyncadd.s32 $0xFFFFD800  }
0x5c: {  	[tilespmem:s15], [sflag:$0x2] =	stream.linear.gather @!p0 [hbm4b:s13+s15], $0x50, $0x38;
	[tilespmem:$0x2850] =	vst v63  }
0x5d: {  	_ =	swait.ge @!p0 [sflag:s14], $0x50  }
0x5e: {  	[sflag:s14] =	ssyncset.done @!p0 $0x0  }
0x5f: {  	[sflag:s14] =	ssyncadd.s32 @!p0 $0xFFFFFFB0  }
0x60: {  	[tilespmem:s16], [sflag:$0x1] =	stream.indirect.gather @!p0 [hbm4b:s5+s16], $0x80, s15, s16, $0xb8;
	[tilespmem:$0x2850] =	vst v63  }
0x61: {  	_ =	swait.ge @!p0 [sflag:s17], $0x2800  }
.Ltmp1:
0x62: {  	[sflag:s17] =	ssyncset.done @!p0 $0x0;
	(pc) =	sbr.rel @p1 .LBB2_1-.Ltmp1, $4  }
0x63: {  	[sflag:s17] =	ssyncadd.s32 @!p0 $0xFFFFD800  }
0x64: {  	[hbm4b:s18+s15] =	stream.linear.scatter @!p0 [tilespmem:s16], [sflag:$0x2], $0x2800, $0x38;
	[tilespmem:$0x2850] =	vst v63  }
0x65: {  	_ =	swait.ge @!p0 [sflag:s14], $0x2800  }
0x66: {  	[sflag:s14] =	ssyncset.done @!p0 $0x0  }
.LBB2_2:
0x67: {  	[sflag:s14] =	ssyncadd.s32 @!p0 $0xFFFFD800  }
0x68: {  	_ =	sfence.sel $0x180000  }
0x69: {  	[bflag:$0x0] =	sbarrier.arrive $0xFFFF  }
0x6a: {  	p0 =	sne.s32 s0, $0x0;
	_ =	strace $0x9000004A  }
0x6b: {  	s0 =	sadd.s32 @!p0 $0x100000, s1;
	[bflag:$0x2] =	sbarrier.arrive $0xFFFF  }
0x6c: {  	[sflag:s0] =	ssyncadd.tile.s32 @!p0 $0x1;
	_ =	shalt  }
.Lfunc_end2:
_tile_overlayer_lowered:
.L_overlay_start_2:
0x6d: {  	(tag) =	ssettag $0x2  }
0x6e: {  	s0 =	rddreg [dreg:$0x0];
	s2 =	stileid.u32  }
0x6f: {  	s1 =	rddreg [dreg:$0x1];
	p0 =	sne.s32 s2, $0x0  }
0x70: {  	s3 =	rddreg [dreg:$0x2];
	[bflag:$0x3] =	sbarrier.arrive $0xFFFF;
	s2 =	simm.s32 @!p0 $0x1C02  }
0x71: {  	[timem:s3], [sflag:s2] =	dma.local @!p0 [hbm:s0], s1  }
0x72: {  	s0 =	simm.s32 @!p0 $0x2  }
0x73: {  	_ =	swait.ge @!p0 [sflag:s0], s1  }
0x74: {  	s1 =	ssub.s32 @!p0 $0x0, s1;
	[sflag:s0] =	ssyncset.done @!p0 $0x0  }
0x75: {  	[sflag:s0] =	ssyncadd.s32 @!p0 s1  }
0x76: {  	[bflag:$0x3] =	sbarrier.arrive $0xFFFF  }
0x77: {  	_ =	shalt  }

</sc_bundles>
